<compile_context>
chip_gen: v7x
topology: tpu7x:2x2x1
jax: 0.10.2.dev20260603
libtpu: 0.0.44.dev20260713+nightly
codegen_flags: <defaults>
</compile_context>

<pallas_src>
import jax
import jax.numpy as jnp
from jax.experimental import pallas as pl


def _stage1_body(x_ref, w0t_ref, b0_ref, y0_ref, s_ref, ss_ref):
    xb = x_ref[0]
    T = xb.shape[-1]
    xp = jnp.pad(xb, ((0, 0), (1, 1)))
    y = b0_ref[:, :] * jnp.ones((1, T), jnp.float32)
    for dt in range(3):
        y = y + jnp.dot(w0t_ref[dt], xp[:, dt:dt + T],
                        preferred_element_type=jnp.float32)
    y0_ref[0] = y
    _accum_stats(y, s_ref, ss_ref)


def _accum_stats(y, s_ref, ss_ref):
    b = pl.program_id(0)
    s = jnp.broadcast_to(jnp.sum(y, axis=1, keepdims=True), s_ref.shape)
    ss = jnp.broadcast_to(jnp.sum(y * y, axis=1, keepdims=True), ss_ref.shape)

    @pl.when(b == 0)
    def _():
        s_ref[...] = s
        ss_ref[...] = ss

    @pl.when(b > 0)
    def _():
        s_ref[...] = s_ref[...] + s
        ss_ref[...] = ss_ref[...] + ss


def _stage2_body(x_ref, y0_ref, sc0_ref, sh0_ref, wr_ref, br_ref,
                 w1t_ref, b1_ref, y1_ref, s_ref, ss_ref):
    xb = x_ref[0]
    T = xb.shape[-1]
    V = xb.shape[0] // 2
    yh0 = sc0_ref[:, :] * y0_ref[0] + sh0_ref[:, :]
    hacc = jnp.zeros(yh0.shape, jnp.float32)
    for v in range(V):
        res = (wr_ref[:, 0:1] * xb[2 * v:2 * v + 1, :]
               + wr_ref[:, 1:2] * xb[2 * v + 1:2 * v + 2, :]
               + br_ref[:, :])
        hacc = hacc + jnp.maximum(yh0 + res, 0.0)
    hbar = hacc * (1.0 / V)
    hp = jnp.pad(hbar, ((0, 0), (1, 1)))
    y = b1_ref[:, :] * jnp.ones((1, T), jnp.float32)
    for dt in range(3):
        y = y + jnp.dot(w1t_ref[dt], hp[:, dt:dt + T],
                        preferred_element_type=jnp.float32)
    y1_ref[0] = y
    _accum_stats(y, s_ref, ss_ref)


def _stage3_body(xe_ref, xo_ref, y0r_ref, y1r_ref, e_ref, sc0_ref,
                 sh0_ref, sc1_ref, sh1_ref, wr_ref, br_ref, out_ref):
    xe = xe_ref[0]
    xo = xo_ref[0]
    e = e_ref[:, :]
    Cout = y0r_ref.shape[1]
    for co in range(Cout):
        yh0s = sc0_ref[co:co + 1, 0:1] * y0r_ref[0, co] + sh0_ref[co:co + 1, 0:1]
        yh1s = sc1_ref[co:co + 1, 0:1] * y1r_ref[0, co] + sh1_ref[co:co + 1, 0:1]
        yh0e = jnp.dot(yh0s, e, preferred_element_type=jnp.float32)
        yh1e = jnp.dot(yh1s, e, preferred_element_type=jnp.float32)
        res = (wr_ref[co:co + 1, 0:1] * xe
               + wr_ref[co:co + 1, 1:2] * xo
               + br_ref[co:co + 1, 0:1])
        h = jnp.maximum(yh0e + res, 0.0)
        o = jnp.maximum(yh1e + h, 0.0)
        out_ref[0, co] = o


def kernel(x, A, W0, b0, g0, be0, Wr0, br0, W1, b1, g1, be1):
    B, C, T = x.shape
    V = A.shape[1]
    Cout = W0.shape[0] // A.shape[0]
    f32 = jnp.float32

    w0t = jnp.stack([jnp.tile(W0[:, :, dt, 0], (1, V)) for dt in range(3)]) / V
    w1t = jnp.stack([W1[:, :, dt, 0] for dt in range(3)])
    wrm = Wr0[:, :, 0, 0]
    col = lambda a: a[:, None].astype(f32)

    y0, s0, ss0 = pl.pallas_call(
        _stage1_body,
        grid=(B,),
        in_specs=[
            pl.BlockSpec((1, C, T), lambda b: (b, 0, 0)),
            pl.BlockSpec((3, Cout, C), lambda b: (0, 0, 0)),
            pl.BlockSpec((Cout, 1), lambda b: (0, 0)),
        ],
        out_specs=[
            pl.BlockSpec((1, Cout, T), lambda b: (b, 0, 0)),
            pl.BlockSpec((Cout, 128), lambda b: (0, 0)),
            pl.BlockSpec((Cout, 128), lambda b: (0, 0)),
        ],
        out_shape=[
            jax.ShapeDtypeStruct((B, Cout, T), f32),
            jax.ShapeDtypeStruct((Cout, 128), f32),
            jax.ShapeDtypeStruct((Cout, 128), f32),
        ],
    )(x, w0t, col(b0))

    n = B * T
    mean0 = s0[:, 0] / n
    var0 = ss0[:, 0] / n - mean0 * mean0
    sc0 = g0 / jnp.sqrt(var0 + 1e-5)
    sh0 = be0 - mean0 * sc0

    y1, s1, ss1 = pl.pallas_call(
        _stage2_body,
        grid=(B,),
        in_specs=[
            pl.BlockSpec((1, C, T), lambda b: (b, 0, 0)),
            pl.BlockSpec((1, Cout, T), lambda b: (b, 0, 0)),
            pl.BlockSpec((Cout, 1), lambda b: (0, 0)),
            pl.BlockSpec((Cout, 1), lambda b: (0, 0)),
            pl.BlockSpec((Cout, 2), lambda b: (0, 0)),
            pl.BlockSpec((Cout, 1), lambda b: (0, 0)),
            pl.BlockSpec((3, Cout, Cout), lambda b: (0, 0, 0)),
            pl.BlockSpec((Cout, 1), lambda b: (0, 0)),
        ],
        out_specs=[
            pl.BlockSpec((1, Cout, T), lambda b: (b, 0, 0)),
            pl.BlockSpec((Cout, 128), lambda b: (0, 0)),
            pl.BlockSpec((Cout, 128), lambda b: (0, 0)),
        ],
        out_shape=[
            jax.ShapeDtypeStruct((B, Cout, T), f32),
            jax.ShapeDtypeStruct((Cout, 128), f32),
            jax.ShapeDtypeStruct((Cout, 128), f32),
        ],
    )(x, y0, col(sc0), col(sh0), wrm, col(br0), w1t, col(b1))

    mean1 = s1[:, 0] / n
    var1 = ss1[:, 0] / n - mean1 * mean1
    sc1 = g1 / jnp.sqrt(var1 + 1e-5)
    sh1 = be1 - mean1 * sc1

    T8 = T // 8
    xev = x[:, 0::2, :].transpose(0, 2, 1).reshape(B, T8, 8 * V)
    xov = x[:, 1::2, :].transpose(0, 2, 1).reshape(B, T8, 8 * V)
    y0r = y0.reshape(B, Cout, T8, 8)
    y1r = y1.reshape(B, Cout, T8, 8)
    emat = (jnp.arange(8 * V)[None, :] // V == jnp.arange(8)[:, None]).astype(f32)

    nT = 2
    T8b = T8 // nT
    out = pl.pallas_call(
        _stage3_body,
        grid=(B, nT),
        in_specs=[
            pl.BlockSpec((1, T8b, 8 * V), lambda b, t: (b, t, 0)),
            pl.BlockSpec((1, T8b, 8 * V), lambda b, t: (b, t, 0)),
            pl.BlockSpec((1, Cout, T8b, 8), lambda b, t: (b, 0, t, 0)),
            pl.BlockSpec((1, Cout, T8b, 8), lambda b, t: (b, 0, t, 0)),
            pl.BlockSpec((8, 8 * V), lambda b, t: (0, 0)),
            pl.BlockSpec((Cout, 1), lambda b, t: (0, 0)),
            pl.BlockSpec((Cout, 1), lambda b, t: (0, 0)),
            pl.BlockSpec((Cout, 1), lambda b, t: (0, 0)),
            pl.BlockSpec((Cout, 1), lambda b, t: (0, 0)),
            pl.BlockSpec((Cout, 2), lambda b, t: (0, 0)),
            pl.BlockSpec((Cout, 1), lambda b, t: (0, 0)),
        ],
        out_specs=pl.BlockSpec((1, Cout, T8b, 8 * V), lambda b, t: (b, 0, t, 0)),
        out_shape=jax.ShapeDtypeStruct((B, Cout, T8, 8 * V), f32),
    )(xev, xov, y0r, y1r, emat, col(sc0), col(sh0), col(sc1), col(sh1),
      wrm, col(br0))

    return out.reshape(B, Cout, T, V)

# --- scband reference (transcript-rebuilt; emitter-appended) ---
"""Pipeline reference for scband-audio-pose-encoder-graph-29600914604576 (READ-ONLY COPY).

The authoritative reference and input builder live on the scoring server;
editing this copy changes nothing except your own understanding.
"""

import jax, jax.numpy as jnp
import numpy as np


def _layer(x, W, b, gamma, beta, A, Wr=None, br=None):
    # x: (B, C_in, T, V); W: (K*C_out, C_in, kt, 1); A: (K, V, V)
    B = x.shape[0]
    K = A.shape[0]
    C_out = W.shape[0] // K
    kt = W.shape[2]
    pad = (kt - 1) // 2
    y = jax.lax.conv_general_dilated(
        x, W, window_strides=(1, 1), padding=[(pad, pad), (0, 0)],
        dimension_numbers=('NCHW', 'OIHW', 'NCHW'))
    y = y + b[None, :, None, None]
    T, V = y.shape[2], y.shape[3]
    y = y.reshape(B, K, C_out, T, V)
    y = jnp.einsum('bkctv,kvw->bctw', y, A)
    mean = y.mean(axis=(0, 2, 3), keepdims=True)
    var = y.var(axis=(0, 2, 3), keepdims=True)
    y = gamma[None, :, None, None] * (y - mean) / jnp.sqrt(var + 1e-5) + beta[None, :, None, None]
    if Wr is not None:
        res = jax.lax.conv_general_dilated(
            x, Wr, window_strides=(1, 1), padding=[(0, 0), (0, 0)],
            dimension_numbers=('NCHW', 'OIHW', 'NCHW'))
        res = res + br[None, :, None, None]
    else:
        res = x
    return jax.nn.relu(y + res)


def setup_inputs(seed: int = 0):
    key = jax.random.key(seed)
    ks = jax.random.split(key, 10)
    B, V, C_in, T = 32, 16, 2, 8192
    x = jax.random.normal(ks[0], (B, V * C_in, T), dtype=jnp.float32)
    A = jnp.ones((1, V, V), dtype=jnp.float32) / V
    W0 = jax.random.normal(ks[1], (16, 2, 3, 1), dtype=jnp.float32) * 0.1
    b0 = jnp.zeros((16,), dtype=jnp.float32)
    g0 = jnp.ones((16,), dtype=jnp.float32)
    be0 = jnp.zeros((16,), dtype=jnp.float32)
    Wr0 = jax.random.normal(ks[2], (16, 2, 1, 1), dtype=jnp.float32) * 0.1
    br0 = jnp.zeros((16,), dtype=jnp.float32)
    W1 = jax.random.normal(ks[3], (16, 16, 3, 1), dtype=jnp.float32) * 0.1
    b1 = jnp.zeros((16,), dtype=jnp.float32)
    g1 = jnp.ones((16,), dtype=jnp.float32)
    be1 = jnp.zeros((16,), dtype=jnp.float32)
    return dict(x=x, A=A, W0=W0, b0=b0, g0=g0, be0=be0, Wr0=Wr0, br0=br0,
                W1=W1, b1=b1, g1=g1, be1=be1)


def reference(x, A, W0, b0, g0, be0, Wr0, br0, W1, b1, g1, be1):
    # x: (B, C, T), C = num_joints * C_in
    B, C, T = x.shape
    V = A.shape[1]
    C_in = C // V
    h = x.reshape(B, V, C_in, T).transpose(0, 2, 3, 1)  # (B, C_in, T, V)
    h = _layer(h, W0, b0, g0, be0, A, Wr0, br0)  # residual needs 1x1 proj (2->16)
    h = _layer(h, W1, b1, g1, be1, A)            # identity residual (16->16)
    return h  # (B, C_out, T, V)

if __name__ == "__main__":
    import jax
    _d = setup_inputs()
    print(jax.jit(kernel)(*tuple(_d.values())))

</pallas_src>

<mosaic_0001>
module attributes {stable_mosaic.version = 14 : i64} {
  func.func @_stage2_body(%arg0: i32, %arg1: memref<1x32x8192xf32, #tpu.memory_space<vmem>>, %arg2: memref<1x16x8192xf32, #tpu.memory_space<vmem>>, %arg3: memref<16x1xf32, #tpu.memory_space<vmem>>, %arg4: memref<16x1xf32, #tpu.memory_space<vmem>>, %arg5: memref<16x2xf32, #tpu.memory_space<vmem>>, %arg6: memref<16x1xf32, #tpu.memory_space<vmem>>, %arg7: memref<3x16x16xf32, #tpu.memory_space<vmem>>, %arg8: memref<16x1xf32, #tpu.memory_space<vmem>>, %arg9: memref<1x16x8192xf32, #tpu.memory_space<vmem>>, %arg10: memref<16x128xf32, #tpu.memory_space<vmem>>, %arg11: memref<16x128xf32, #tpu.memory_space<vmem>>) attributes {dimension_semantics = [#tpu.dimension_semantics<arbitrary>], iteration_bounds = array<i64: 32>, scalar_prefetch = 0 : i64, scratch_operands = 0 : i64, tpu.core_type = #tpu.core_type<tc>, window_params = [{transform_indices = @transform_0, window_bounds = array<i64: 1, 32, 8192>}, {transform_indices = @transform_1, window_bounds = array<i64: 1, 16, 8192>}, {pipeline_mode = #tpu.pipeline_mode<synchronous>, transform_indices = @transform_2, window_bounds = array<i64: 16, 1>}, {pipeline_mode = #tpu.pipeline_mode<synchronous>, transform_indices = @transform_3, window_bounds = array<i64: 16, 1>}, {pipeline_mode = #tpu.pipeline_mode<synchronous>, transform_indices = @transform_4, window_bounds = array<i64: 16, 2>}, {pipeline_mode = #tpu.pipeline_mode<synchronous>, transform_indices = @transform_5, window_bounds = array<i64: 16, 1>}, {pipeline_mode = #tpu.pipeline_mode<synchronous>, transform_indices = @transform_6, window_bounds = array<i64: 3, 16, 16>}, {pipeline_mode = #tpu.pipeline_mode<synchronous>, transform_indices = @transform_7, window_bounds = array<i64: 16, 1>}, {transform_indices = @transform_8, window_bounds = array<i64: 1, 16, 8192>}, {pipeline_mode = #tpu.pipeline_mode<synchronous>, transform_indices = @transform_9, window_bounds = array<i64: 16, 128>}, {pipeline_mode = #tpu.pipeline_mode<synchronous>, transform_indices = @transform_10, window_bounds = array<i64: 16, 128>}]} {
    %get3A = arith.constant 0 : index
    %get3A_0 = arith.constant 0 : index
    %get3A_1 = arith.constant 0 : index
    %get3A_2 = vector.load %arg1[%get3A, %get3A_0, %get3A_1] : memref<1x32x8192xf32, #tpu.memory_space<vmem>>, vector<1x32x8192xf32>
    %get3A_3 = vector.shape_cast %get3A_2 : vector<1x32x8192xf32> to vector<32x8192xf32>
    %get3A_4 = arith.constant 0 : index
    %get3A_5 = arith.constant 0 : index
    %get3A_6 = vector.load %arg3[%get3A_4, %get3A_5] : memref<16x1xf32, #tpu.memory_space<vmem>>, vector<16x1xf32>
    %get3A_7 = arith.constant 0 : index
    %get3A_8 = arith.constant 0 : index
    %get3A_9 = arith.constant 0 : index
    %get3A_10 = vector.load %arg2[%get3A_7, %get3A_8, %get3A_9] : memref<1x16x8192xf32, #tpu.memory_space<vmem>>, vector<1x16x8192xf32>
    %get3A_11 = vector.shape_cast %get3A_10 : vector<1x16x8192xf32> to vector<16x8192xf32>
    %mul3A = vector.broadcast %get3A_6 : vector<16x1xf32> to vector<16x8192xf32>
    %mul3A_12 = arith.mulf %mul3A, %get3A_11 : vector<16x8192xf32>
    %get3A_13 = arith.constant 0 : index
    %get3A_14 = arith.constant 0 : index
    %get3A_15 = vector.load %arg4[%get3A_13, %get3A_14] : memref<16x1xf32, #tpu.memory_space<vmem>>, vector<16x1xf32>
    %add3A = vector.broadcast %get3A_15 : vector<16x1xf32> to vector<16x8192xf32>
    %add3A_16 = arith.addf %mul3A_12, %add3A : vector<16x8192xf32>
    %broadcast_in_dim3A = arith.constant 0.000000e+00 : f32
    %broadcast_in_dim3A_17 = vector.broadcast %broadcast_in_dim3A : f32 to vector<16x8192xf32>
    %get3A_18 = arith.constant 0 : index
    %get3A_19 = arith.constant 0 : index
    %get3A_20 = vector.load %arg5[%get3A_18, %get3A_19] : memref<16x2xf32, #tpu.memory_space<vmem>>, vector<16x1xf32>
    %slice3A = vector.extract_strided_slice %get3A_3 {offsets = [0, 0], sizes = [1, 8192], strides = [1, 1]} : vector<32x8192xf32> to vector<1x8192xf32>
    %mul3A_21 = vector.broadcast %get3A_20 : vector<16x1xf32> to vector<16x8192xf32>
    %mul3A_22 = vector.broadcast %slice3A : vector<1x8192xf32> to vector<16x8192xf32>
    %mul3A_23 = arith.mulf %mul3A_21, %mul3A_22 : vector<16x8192xf32>
    %get3A_24 = arith.constant 0 : index
    %get3A_25 = arith.constant 1 : index
    %get3A_26 = vector.load %arg5[%get3A_24, %get3A_25] : memref<16x2xf32, #tpu.memory_space<vmem>>, vector<16x1xf32>
    %slice3A_27 = vector.extract_strided_slice %get3A_3 {offsets = [1, 0], sizes = [1, 8192], strides = [1, 1]} : vector<32x8192xf32> to vector<1x8192xf32>
    %mul3A_28 = vector.broadcast %get3A_26 : vector<16x1xf32> to vector<16x8192xf32>
    %mul3A_29 = vector.broadcast %slice3A_27 : vector<1x8192xf32> to vector<16x8192xf32>
    %mul3A_30 = arith.mulf %mul3A_28, %mul3A_29 : vector<16x8192xf32>
    %add3A_31 = arith.addf %mul3A_23, %mul3A_30 : vector<16x8192xf32>
    %get3A_32 = arith.constant 0 : index
    %get3A_33 = arith.constant 0 : index
    %get3A_34 = vector.load %arg6[%get3A_32, %get3A_33] : memref<16x1xf32, #tpu.memory_space<vmem>>, vector<16x1xf32>
    %add3A_35 = vector.broadcast %get3A_34 : vector<16x1xf32> to vector<16x8192xf32>
    %add3A_36 = arith.addf %add3A_31, %add3A_35 : vector<16x8192xf32>
    %add3A_37 = arith.addf %add3A_16, %add3A_36 : vector<16x8192xf32>
    %max3A = arith.constant 0.000000e+00 : f32
    %max3A_38 = vector.broadcast %max3A : f32 to vector<16x8192xf32>
    %max3A_39 = arith.maximumf %add3A_37, %max3A_38 : vector<16x8192xf32>
    %add3A_40 = arith.addf %broadcast_in_dim3A_17, %max3A_39 : vector<16x8192xf32>
    %get3A_41 = arith.constant 0 : index
    %get3A_42 = arith.constant 0 : index
    %get3A_43 = vector.load %arg5[%get3A_41, %get3A_42] : memref<16x2xf32, #tpu.memory_space<vmem>>, vector<16x1xf32>
    %slice3A_44 = vector.extract_strided_slice %get3A_3 {offsets = [2, 0], sizes = [1, 8192], strides = [1, 1]} : vector<32x8192xf32> to vector<1x8192xf32>
    %mul3A_45 = vector.broadcast %get3A_43 : vector<16x1xf32> to vector<16x8192xf32>
    %mul3A_46 = vector.broadcast %slice3A_44 : vector<1x8192xf32> to vector<16x8192xf32>
    %mul3A_47 = arith.mulf %mul3A_45, %mul3A_46 : vector<16x8192xf32>
    %get3A_48 = arith.constant 0 : index
    %get3A_49 = arith.constant 1 : index
    %get3A_50 = vector.load %arg5[%get3A_48, %get3A_49] : memref<16x2xf32, #tpu.memory_space<vmem>>, vector<16x1xf32>
    %slice3A_51 = vector.extract_strided_slice %get3A_3 {offsets = [3, 0], sizes = [1, 8192], strides = [1, 1]} : vector<32x8192xf32> to vector<1x8192xf32>
    %mul3A_52 = vector.broadcast %get3A_50 : vector<16x1xf32> to vector<16x8192xf32>
    %mul3A_53 = vector.broadcast %slice3A_51 : vector<1x8192xf32> to vector<16x8192xf32>
    %mul3A_54 = arith.mulf %mul3A_52, %mul3A_53 : vector<16x8192xf32>
    %add3A_55 = arith.addf %mul3A_47, %mul3A_54 : vector<16x8192xf32>
    %get3A_56 = arith.constant 0 : index
    %get3A_57 = arith.constant 0 : index
    %get3A_58 = vector.load %arg6[%get3A_56, %get3A_57] : memref<16x1xf32, #tpu.memory_space<vmem>>, vector<16x1xf32>
    %add3A_59 = vector.broadcast %get3A_58 : vector<16x1xf32> to vector<16x8192xf32>
    %add3A_60 = arith.addf %add3A_55, %add3A_59 : vector<16x8192xf32>
    %add3A_61 = arith.addf %add3A_16, %add3A_60 : vector<16x8192xf32>
    %max3A_62 = arith.constant 0.000000e+00 : f32
    %max3A_63 = vector.broadcast %max3A_62 : f32 to vector<16x8192xf32>
    %max3A_64 = arith.maximumf %add3A_61, %max3A_63 : vector<16x8192xf32>
    %add3A_65 = arith.addf %add3A_40, %max3A_64 : vector<16x8192xf32>
    %get3A_66 = arith.constant 0 : index
    %get3A_67 = arith.constant 0 : index
    %get3A_68 = vector.load %arg5[%get3A_66, %get3A_67] : memref<16x2xf32, #tpu.memory_space<vmem>>, vector<16x1xf32>
    %slice3A_69 = vector.extract_strided_slice %get3A_3 {offsets = [4, 0], sizes = [1, 8192], strides = [1, 1]} : vector<32x8192xf32> to vector<1x8192xf32>
    %mul3A_70 = vector.broadcast %get3A_68 : vector<16x1xf32> to vector<16x8192xf32>
    %mul3A_71 = vector.broadcast %slice3A_69 : vector<1x8192xf32> to vector<16x8192xf32>
    %mul3A_72 = arith.mulf %mul3A_70, %mul3A_71 : vector<16x8192xf32>
    %get3A_73 = arith.constant 0 : index
    %get3A_74 = arith.constant 1 : index
    %get3A_75 = vector.load %arg5[%get3A_73, %get3A_74] : memref<16x2xf32, #tpu.memory_space<vmem>>, vector<16x1xf32>
    %slice3A_76 = vector.extract_strided_slice %get3A_3 {offsets = [5, 0], sizes = [1, 8192], strides = [1, 1]} : vector<32x8192xf32> to vector<1x8192xf32>
    %mul3A_77 = vector.broadcast %get3A_75 : vector<16x1xf32> to vector<16x8192xf32>
    %mul3A_78 = vector.broadcast %slice3A_76 : vector<1x8192xf32> to vector<16x8192xf32>
    %mul3A_79 = arith.mulf %mul3A_77, %mul3A_78 : vector<16x8192xf32>
    %add3A_80 = arith.addf %mul3A_72, %mul3A_79 : vector<16x8192xf32>
    %get3A_81 = arith.constant 0 : index
    %get3A_82 = arith.constant 0 : index
    %get3A_83 = vector.load %arg6[%get3A_81, %get3A_82] : memref<16x1xf32, #tpu.memory_space<vmem>>, vector<16x1xf32>
    %add3A_84 = vector.broadcast %get3A_83 : vector<16x1xf32> to vector<16x8192xf32>
    %add3A_85 = arith.addf %add3A_80, %add3A_84 : vector<16x8192xf32>
    %add3A_86 = arith.addf %add3A_16, %add3A_85 : vector<16x8192xf32>
    %max3A_87 = arith.constant 0.000000e+00 : f32
    %max3A_88 = vector.broadcast %max3A_87 : f32 to vector<16x8192xf32>
    %max3A_89 = arith.maximumf %add3A_86, %max3A_88 : vector<16x8192xf32>
    %add3A_90 = arith.addf %add3A_65, %max3A_89 : vector<16x8192xf32>
    %get3A_91 = arith.constant 0 : index
    %get3A_92 = arith.constant 0 : index
    %get3A_93 = vector.load %arg5[%get3A_91, %get3A_92] : memref<16x2xf32, #tpu.memory_space<vmem>>, vector<16x1xf32>
    %slice3A_94 = vector.extract_strided_slice %get3A_3 {offsets = [6, 0], sizes = [1, 8192], strides = [1, 1]} : vector<32x8192xf32> to vector<1x8192xf32>
    %mul3A_95 = vector.broadcast %get3A_93 : vector<16x1xf32> to vector<16x8192xf32>
    %mul3A_96 = vector.broadcast %slice3A_94 : vector<1x8192xf32> to vector<16x8192xf32>
    %mul3A_97 = arith.mulf %mul3A_95, %mul3A_96 : vector<16x8192xf32>
    %get3A_98 = arith.constant 0 : index
    %get3A_99 = arith.constant 1 : index
    %get3A_100 = vector.load %arg5[%get3A_98, %get3A_99] : memref<16x2xf32, #tpu.memory_space<vmem>>, vector<16x1xf32>
    %slice3A_101 = vector.extract_strided_slice %get3A_3 {offsets = [7, 0], sizes = [1, 8192], strides = [1, 1]} : vector<32x8192xf32> to vector<1x8192xf32>
    %mul3A_102 = vector.broadcast %get3A_100 : vector<16x1xf32> to vector<16x8192xf32>
    %mul3A_103 = vector.broadcast %slice3A_101 : vector<1x8192xf32> to vector<16x8192xf32>
    %mul3A_104 = arith.mulf %mul3A_102, %mul3A_103 : vector<16x8192xf32>
    %add3A_105 = arith.addf %mul3A_97, %mul3A_104 : vector<16x8192xf32>
    %get3A_106 = arith.constant 0 : index
    %get3A_107 = arith.constant 0 : index
    %get3A_108 = vector.load %arg6[%get3A_106, %get3A_107] : memref<16x1xf32, #tpu.memory_space<vmem>>, vector<16x1xf32>
    %add3A_109 = vector.broadcast %get3A_108 : vector<16x1xf32> to vector<16x8192xf32>
    %add3A_110 = arith.addf %add3A_105, %add3A_109 : vector<16x8192xf32>
    %add3A_111 = arith.addf %add3A_16, %add3A_110 : vector<16x8192xf32>
    %max3A_112 = arith.constant 0.000000e+00 : f32
    %max3A_113 = vector.broadcast %max3A_112 : f32 to vector<16x8192xf32>
    %max3A_114 = arith.maximumf %add3A_111, %max3A_113 : vector<16x8192xf32>
    %add3A_115 = arith.addf %add3A_90, %max3A_114 : vector<16x8192xf32>
    %get3A_116 = arith.constant 0 : index
    %get3A_117 = arith.constant 0 : index
    %get3A_118 = vector.load %arg5[%get3A_116, %get3A_117] : memref<16x2xf32, #tpu.memory_space<vmem>>, vector<16x1xf32>
    %slice3A_119 = vector.extract_strided_slice %get3A_3 {offsets = [8, 0], sizes = [1, 8192], strides = [1, 1]} : vector<32x8192xf32> to vector<1x8192xf32>
    %mul3A_120 = vector.broadcast %get3A_118 : vector<16x1xf32> to vector<16x8192xf32>
    %mul3A_121 = vector.broadcast %slice3A_119 : vector<1x8192xf32> to vector<16x8192xf32>
    %mul3A_122 = arith.mulf %mul3A_120, %mul3A_121 : vector<16x8192xf32>
    %get3A_123 = arith.constant 0 : index
    %get3A_124 = arith.constant 1 : index
    %get3A_125 = vector.load %arg5[%get3A_123, %get3A_124] : memref<16x2xf32, #tpu.memory_space<vmem>>, vector<16x1xf32>
    %slice3A_126 = vector.extract_strided_slice %get3A_3 {offsets = [9, 0], sizes = [1, 8192], strides = [1, 1]} : vector<32x8192xf32> to vector<1x8192xf32>
    %mul3A_127 = vector.broadcast %get3A_125 : vector<16x1xf32> to vector<16x8192xf32>
    %mul3A_128 = vector.broadcast %slice3A_126 : vector<1x8192xf32> to vector<16x8192xf32>
    %mul3A_129 = arith.mulf %mul3A_127, %mul3A_128 : vector<16x8192xf32>
    %add3A_130 = arith.addf %mul3A_122, %mul3A_129 : vector<16x8192xf32>
    %get3A_131 = arith.constant 0 : index
    %get3A_132 = arith.constant 0 : index
    %get3A_133 = vector.load %arg6[%get3A_131, %get3A_132] : memref<16x1xf32, #tpu.memory_space<vmem>>, vector<16x1xf32>
    %add3A_134 = vector.broadcast %get3A_133 : vector<16x1xf32> to vector<16x8192xf32>
    %add3A_135 = arith.addf %add3A_130, %add3A_134 : vector<16x8192xf32>
    %add3A_136 = arith.addf %add3A_16, %add3A_135 : vector<16x8192xf32>
    %max3A_137 = arith.constant 0.000000e+00 : f32
    %max3A_138 = vector.broadcast %max3A_137 : f32 to vector<16x8192xf32>
    %max3A_139 = arith.maximumf %add3A_136, %max3A_138 : vector<16x8192xf32>
    %add3A_140 = arith.addf %add3A_115, %max3A_139 : vector<16x8192xf32>
    %get3A_141 = arith.constant 0 : index
    %get3A_142 = arith.constant 0 : index
    %get3A_143 = vector.load %arg5[%get3A_141, %get3A_142] : memref<16x2xf32, #tpu.memory_space<vmem>>, vector<16x1xf32>
    %slice3A_144 = vector.extract_strided_slice %get3A_3 {offsets = [10, 0], sizes = [1, 8192], strides = [1, 1]} : vector<32x8192xf32> to vector<1x8192xf32>
    %mul3A_145 = vector.broadcast %get3A_143 : vector<16x1xf32> to vector<16x8192xf32>
    %mul3A_146 = vector.broadcast %slice3A_144 : vector<1x8192xf32> to vector<16x8192xf32>
    %mul3A_147 = arith.mulf %mul3A_145, %mul3A_146 : vector<16x8192xf32>
    %get3A_148 = arith.constant 0 : index
    %get3A_149 = arith.constant 1 : index
    %get3A_150 = vector.load %arg5[%get3A_148, %get3A_149] : memref<16x2xf32, #tpu.memory_space<vmem>>, vector<16x1xf32>
    %slice3A_151 = vector.extract_strided_slice %get3A_3 {offsets = [11, 0], sizes = [1, 8192], strides = [1, 1]} : vector<32x8192xf32> to vector<1x8192xf32>
    %mul3A_152 = vector.broadcast %get3A_150 : vector<16x1xf32> to vector<16x8192xf32>
    %mul3A_153 = vector.broadcast %slice3A_151 : vector<1x8192xf32> to vector<16x8192xf32>
    %mul3A_154 = arith.mulf %mul3A_152, %mul3A_153 : vector<16x8192xf32>
    %add3A_155 = arith.addf %mul3A_147, %mul3A_154 : vector<16x8192xf32>
    %get3A_156 = arith.constant 0 : index
    %get3A_157 = arith.constant 0 : index
    %get3A_158 = vector.load %arg6[%get3A_156, %get3A_157] : memref<16x1xf32, #tpu.memory_space<vmem>>, vector<16x1xf32>
    %add3A_159 = vector.broadcast %get3A_158 : vector<16x1xf32> to vector<16x8192xf32>
    %add3A_160 = arith.addf %add3A_155, %add3A_159 : vector<16x8192xf32>
    %add3A_161 = arith.addf %add3A_16, %add3A_160 : vector<16x8192xf32>
    %max3A_162 = arith.constant 0.000000e+00 : f32
    %max3A_163 = vector.broadcast %max3A_162 : f32 to vector<16x8192xf32>
    %max3A_164 = arith.maximumf %add3A_161, %max3A_163 : vector<16x8192xf32>
    %add3A_165 = arith.addf %add3A_140, %max3A_164 : vector<16x8192xf32>
    %get3A_166 = arith.constant 0 : index
    %get3A_167 = arith.constant 0 : index
    %get3A_168 = vector.load %arg5[%get3A_166, %get3A_167] : memref<16x2xf32, #tpu.memory_space<vmem>>, vector<16x1xf32>
    %slice3A_169 = vector.extract_strided_slice %get3A_3 {offsets = [12, 0], sizes = [1, 8192], strides = [1, 1]} : vector<32x8192xf32> to vector<1x8192xf32>
    %mul3A_170 = vector.broadcast %get3A_168 : vector<16x1xf32> to vector<16x8192xf32>
    %mul3A_171 = vector.broadcast %slice3A_169 : vector<1x8192xf32> to vector<16x8192xf32>
    %mul3A_172 = arith.mulf %mul3A_170, %mul3A_171 : vector<16x8192xf32>
    %get3A_173 = arith.constant 0 : index
    %get3A_174 = arith.constant 1 : index
    %get3A_175 = vector.load %arg5[%get3A_173, %get3A_174] : memref<16x2xf32, #tpu.memory_space<vmem>>, vector<16x1xf32>
    %slice3A_176 = vector.extract_strided_slice %get3A_3 {offsets = [13, 0], sizes = [1, 8192], strides = [1, 1]} : vector<32x8192xf32> to vector<1x8192xf32>
    %mul3A_177 = vector.broadcast %get3A_175 : vector<16x1xf32> to vector<16x8192xf32>
    %mul3A_178 = vector.broadcast %slice3A_176 : vector<1x8192xf32> to vector<16x8192xf32>
    %mul3A_179 = arith.mulf %mul3A_177, %mul3A_178 : vector<16x8192xf32>
    %add3A_180 = arith.addf %mul3A_172, %mul3A_179 : vector<16x8192xf32>
    %get3A_181 = arith.constant 0 : index
    %get3A_182 = arith.constant 0 : index
    %get3A_183 = vector.load %arg6[%get3A_181, %get3A_182] : memref<16x1xf32, #tpu.memory_space<vmem>>, vector<16x1xf32>
    %add3A_184 = vector.broadcast %get3A_183 : vector<16x1xf32> to vector<16x8192xf32>
    %add3A_185 = arith.addf %add3A_180, %add3A_184 : vector<16x8192xf32>
    %add3A_186 = arith.addf %add3A_16, %add3A_185 : vector<16x8192xf32>
    %max3A_187 = arith.constant 0.000000e+00 : f32
    %max3A_188 = vector.broadcast %max3A_187 : f32 to vector<16x8192xf32>
    %max3A_189 = arith.maximumf %add3A_186, %max3A_188 : vector<16x8192xf32>
    %add3A_190 = arith.addf %add3A_165, %max3A_189 : vector<16x8192xf32>
    %get3A_191 = arith.constant 0 : index
    %get3A_192 = arith.constant 0 : index
    %get3A_193 = vector.load %arg5[%get3A_191, %get3A_192] : memref<16x2xf32, #tpu.memory_space<vmem>>, vector<16x1xf32>
    %slice3A_194 = vector.extract_strided_slice %get3A_3 {offsets = [14, 0], sizes = [1, 8192], strides = [1, 1]} : vector<32x8192xf32> to vector<1x8192xf32>
    %mul3A_195 = vector.broadcast %get3A_193 : vector<16x1xf32> to vector<16x8192xf32>
    %mul3A_196 = vector.broadcast %slice3A_194 : vector<1x8192xf32> to vector<16x8192xf32>
    %mul3A_197 = arith.mulf %mul3A_195, %mul3A_196 : vector<16x8192xf32>
    %get3A_198 = arith.constant 0 : index
    %get3A_199 = arith.constant 1 : index
    %get3A_200 = vector.load %arg5[%get3A_198, %get3A_199] : memref<16x2xf32, #tpu.memory_space<vmem>>, vector<16x1xf32>
    %slice3A_201 = vector.extract_strided_slice %get3A_3 {offsets = [15, 0], sizes = [1, 8192], strides = [1, 1]} : vector<32x8192xf32> to vector<1x8192xf32>
    %mul3A_202 = vector.broadcast %get3A_200 : vector<16x1xf32> to vector<16x8192xf32>
    %mul3A_203 = vector.broadcast %slice3A_201 : vector<1x8192xf32> to vector<16x8192xf32>
    %mul3A_204 = arith.mulf %mul3A_202, %mul3A_203 : vector<16x8192xf32>
    %add3A_205 = arith.addf %mul3A_197, %mul3A_204 : vector<16x8192xf32>
    %get3A_206 = arith.constant 0 : index
    %get3A_207 = arith.constant 0 : index
    %get3A_208 = vector.load %arg6[%get3A_206, %get3A_207] : memref<16x1xf32, #tpu.memory_space<vmem>>, vector<16x1xf32>
    %add3A_209 = vector.broadcast %get3A_208 : vector<16x1xf32> to vector<16x8192xf32>
    %add3A_210 = arith.addf %add3A_205, %add3A_209 : vector<16x8192xf32>
    %add3A_211 = arith.addf %add3A_16, %add3A_210 : vector<16x8192xf32>
    %max3A_212 = arith.constant 0.000000e+00 : f32
    %max3A_213 = vector.broadcast %max3A_212 : f32 to vector<16x8192xf32>
    %max3A_214 = arith.maximumf %add3A_211, %max3A_213 : vector<16x8192xf32>
    %add3A_215 = arith.addf %add3A_190, %max3A_214 : vector<16x8192xf32>
    %get3A_216 = arith.constant 0 : index
    %get3A_217 = arith.constant 0 : index
    %get3A_218 = vector.load %arg5[%get3A_216, %get3A_217] : memref<16x2xf32, #tpu.memory_space<vmem>>, vector<16x1xf32>
    %slice3A_219 = vector.extract_strided_slice %get3A_3 {offsets = [16, 0], sizes = [1, 8192], strides = [1, 1]} : vector<32x8192xf32> to vector<1x8192xf32>
    %mul3A_220 = vector.broadcast %get3A_218 : vector<16x1xf32> to vector<16x8192xf32>
    %mul3A_221 = vector.broadcast %slice3A_219 : vector<1x8192xf32> to vector<16x8192xf32>
    %mul3A_222 = arith.mulf %mul3A_220, %mul3A_221 : vector<16x8192xf32>
    %get3A_223 = arith.constant 0 : index
    %get3A_224 = arith.constant 1 : index
    %get3A_225 = vector.load %arg5[%get3A_223, %get3A_224] : memref<16x2xf32, #tpu.memory_space<vmem>>, vector<16x1xf32>
    %slice3A_226 = vector.extract_strided_slice %get3A_3 {offsets = [17, 0], sizes = [1, 8192], strides = [1, 1]} : vector<32x8192xf32> to vector<1x8192xf32>
    %mul3A_227 = vector.broadcast %get3A_225 : vector<16x1xf32> to vector<16x8192xf32>
    %mul3A_228 = vector.broadcast %slice3A_226 : vector<1x8192xf32> to vector<16x8192xf32>
    %mul3A_229 = arith.mulf %mul3A_227, %mul3A_228 : vector<16x8192xf32>
    %add3A_230 = arith.addf %mul3A_222, %mul3A_229 : vector<16x8192xf32>
    %get3A_231 = arith.constant 0 : index
    %get3A_232 = arith.constant 0 : index
    %get3A_233 = vector.load %arg6[%get3A_231, %get3A_232] : memref<16x1xf32, #tpu.memory_space<vmem>>, vector<16x1xf32>
    %add3A_234 = vector.broadcast %get3A_233 : vector<16x1xf32> to vector<16x8192xf32>
    %add3A_235 = arith.addf %add3A_230, %add3A_234 : vector<16x8192xf32>
    %add3A_236 = arith.addf %add3A_16, %add3A_235 : vector<16x8192xf32>
    %max3A_237 = arith.constant 0.000000e+00 : f32
    %max3A_238 = vector.broadcast %max3A_237 : f32 to vector<16x8192xf32>
    %max3A_239 = arith.maximumf %add3A_236, %max3A_238 : vector<16x8192xf32>
    %add3A_240 = arith.addf %add3A_215, %max3A_239 : vector<16x8192xf32>
    %get3A_241 = arith.constant 0 : index
    %get3A_242 = arith.constant 0 : index
    %get3A_243 = vector.load %arg5[%get3A_241, %get3A_242] : memref<16x2xf32, #tpu.memory_space<vmem>>, vector<16x1xf32>
    %slice3A_244 = vector.extract_strided_slice %get3A_3 {offsets = [18, 0], sizes = [1, 8192], strides = [1, 1]} : vector<32x8192xf32> to vector<1x8192xf32>
    %mul3A_245 = vector.broadcast %get3A_243 : vector<16x1xf32> to vector<16x8192xf32>
    %mul3A_246 = vector.broadcast %slice3A_244 : vector<1x8192xf32> to vector<16x8192xf32>
    %mul3A_247 = arith.mulf %mul3A_245, %mul3A_246 : vector<16x8192xf32>
    %get3A_248 = arith.constant 0 : index
    %get3A_249 = arith.constant 1 : index
    %get3A_250 = vector.load %arg5[%get3A_248, %get3A_249] : memref<16x2xf32, #tpu.memory_space<vmem>>, vector<16x1xf32>
    %slice3A_251 = vector.extract_strided_slice %get3A_3 {offsets = [19, 0], sizes = [1, 8192], strides = [1, 1]} : vector<32x8192xf32> to vector<1x8192xf32>
    %mul3A_252 = vector.broadcast %get3A_250 : vector<16x1xf32> to vector<16x8192xf32>
    %mul3A_253 = vector.broadcast %slice3A_251 : vector<1x8192xf32> to vector<16x8192xf32>
    %mul3A_254 = arith.mulf %mul3A_252, %mul3A_253 : vector<16x8192xf32>
    %add3A_255 = arith.addf %mul3A_247, %mul3A_254 : vector<16x8192xf32>
    %get3A_256 = arith.constant 0 : index
    %get3A_257 = arith.constant 0 : index
    %get3A_258 = vector.load %arg6[%get3A_256, %get3A_257] : memref<16x1xf32, #tpu.memory_space<vmem>>, vector<16x1xf32>
    %add3A_259 = vector.broadcast %get3A_258 : vector<16x1xf32> to vector<16x8192xf32>
    %add3A_260 = arith.addf %add3A_255, %add3A_259 : vector<16x8192xf32>
    %add3A_261 = arith.addf %add3A_16, %add3A_260 : vector<16x8192xf32>
    %max3A_262 = arith.constant 0.000000e+00 : f32
    %max3A_263 = vector.broadcast %max3A_262 : f32 to vector<16x8192xf32>
    %max3A_264 = arith.maximumf %add3A_261, %max3A_263 : vector<16x8192xf32>
    %add3A_265 = arith.addf %add3A_240, %max3A_264 : vector<16x8192xf32>
    %get3A_266 = arith.constant 0 : index
    %get3A_267 = arith.constant 0 : index
    %get3A_268 = vector.load %arg5[%get3A_266, %get3A_267] : memref<16x2xf32, #tpu.memory_space<vmem>>, vector<16x1xf32>
    %slice3A_269 = vector.extract_strided_slice %get3A_3 {offsets = [20, 0], sizes = [1, 8192], strides = [1, 1]} : vector<32x8192xf32> to vector<1x8192xf32>
    %mul3A_270 = vector.broadcast %get3A_268 : vector<16x1xf32> to vector<16x8192xf32>
    %mul3A_271 = vector.broadcast %slice3A_269 : vector<1x8192xf32> to vector<16x8192xf32>
    %mul3A_272 = arith.mulf %mul3A_270, %mul3A_271 : vector<16x8192xf32>
    %get3A_273 = arith.constant 0 : index
    %get3A_274 = arith.constant 1 : index
    %get3A_275 = vector.load %arg5[%get3A_273, %get3A_274] : memref<16x2xf32, #tpu.memory_space<vmem>>, vector<16x1xf32>
    %slice3A_276 = vector.extract_strided_slice %get3A_3 {offsets = [21, 0], sizes = [1, 8192], strides = [1, 1]} : vector<32x8192xf32> to vector<1x8192xf32>
    %mul3A_277 = vector.broadcast %get3A_275 : vector<16x1xf32> to vector<16x8192xf32>
    %mul3A_278 = vector.broadcast %slice3A_276 : vector<1x8192xf32> to vector<16x8192xf32>
    %mul3A_279 = arith.mulf %mul3A_277, %mul3A_278 : vector<16x8192xf32>
    %add3A_280 = arith.addf %mul3A_272, %mul3A_279 : vector<16x8192xf32>
    %get3A_281 = arith.constant 0 : index
    %get3A_282 = arith.constant 0 : index
    %get3A_283 = vector.load %arg6[%get3A_281, %get3A_282] : memref<16x1xf32, #tpu.memory_space<vmem>>, vector<16x1xf32>
    %add3A_284 = vector.broadcast %get3A_283 : vector<16x1xf32> to vector<16x8192xf32>
    %add3A_285 = arith.addf %add3A_280, %add3A_284 : vector<16x8192xf32>
    %add3A_286 = arith.addf %add3A_16, %add3A_285 : vector<16x8192xf32>
    %max3A_287 = arith.constant 0.000000e+00 : f32
    %max3A_288 = vector.broadcast %max3A_287 : f32 to vector<16x8192xf32>
    %max3A_289 = arith.maximumf %add3A_286, %max3A_288 : vector<16x8192xf32>
    %add3A_290 = arith.addf %add3A_265, %max3A_289 : vector<16x8192xf32>
    %get3A_291 = arith.constant 0 : index
    %get3A_292 = arith.constant 0 : index
    %get3A_293 = vector.load %arg5[%get3A_291, %get3A_292] : memref<16x2xf32, #tpu.memory_space<vmem>>, vector<16x1xf32>
    %slice3A_294 = vector.extract_strided_slice %get3A_3 {offsets = [22, 0], sizes = [1, 8192], strides = [1, 1]} : vector<32x8192xf32> to vector<1x8192xf32>
    %mul3A_295 = vector.broadcast %get3A_293 : vector<16x1xf32> to vector<16x8192xf32>
    %mul3A_296 = vector.broadcast %slice3A_294 : vector<1x8192xf32> to vector<16x8192xf32>
    %mul3A_297 = arith.mulf %mul3A_295, %mul3A_296 : vector<16x8192xf32>
    %get3A_298 = arith.constant 0 : index
    %get3A_299 = arith.constant 1 : index
    %get3A_300 = vector.load %arg5[%get3A_298, %get3A_299] : memref<16x2xf32, #tpu.memory_space<vmem>>, vector<16x1xf32>
    %slice3A_301 = vector.extract_strided_slice %get3A_3 {offsets = [23, 0], sizes = [1, 8192], strides = [1, 1]} : vector<32x8192xf32> to vector<1x8192xf32>
    %mul3A_302 = vector.broadcast %get3A_300 : vector<16x1xf32> to vector<16x8192xf32>
    %mul3A_303 = vector.broadcast %slice3A_301 : vector<1x8192xf32> to vector<16x8192xf32>
    %mul3A_304 = arith.mulf %mul3A_302, %mul3A_303 : vector<16x8192xf32>
    %add3A_305 = arith.addf %mul3A_297, %mul3A_304 : vector<16x8192xf32>
    %get3A_306 = arith.constant 0 : index
    %get3A_307 = arith.constant 0 : index
    %get3A_308 = vector.load %arg6[%get3A_306, %get3A_307] : memref<16x1xf32, #tpu.memory_space<vmem>>, vector<16x1xf32>
    %add3A_309 = vector.broadcast %get3A_308 : vector<16x1xf32> to vector<16x8192xf32>
    %add3A_310 = arith.addf %add3A_305, %add3A_309 : vector<16x8192xf32>
    %add3A_311 = arith.addf %add3A_16, %add3A_310 : vector<16x8192xf32>
    %max3A_312 = arith.constant 0.000000e+00 : f32
    %max3A_313 = vector.broadcast %max3A_312 : f32 to vector<16x8192xf32>
    %max3A_314 = arith.maximumf %add3A_311, %max3A_313 : vector<16x8192xf32>
    %add3A_315 = arith.addf %add3A_290, %max3A_314 : vector<16x8192xf32>
    %get3A_316 = arith.constant 0 : index
    %get3A_317 = arith.constant 0 : index
    %get3A_318 = vector.load %arg5[%get3A_316, %get3A_317] : memref<16x2xf32, #tpu.memory_space<vmem>>, vector<16x1xf32>
    %slice3A_319 = vector.extract_strided_slice %get3A_3 {offsets = [24, 0], sizes = [1, 8192], strides = [1, 1]} : vector<32x8192xf32> to vector<1x8192xf32>
    %mul3A_320 = vector.broadcast %get3A_318 : vector<16x1xf32> to vector<16x8192xf32>
    %mul3A_321 = vector.broadcast %slice3A_319 : vector<1x8192xf32> to vector<16x8192xf32>
    %mul3A_322 = arith.mulf %mul3A_320, %mul3A_321 : vector<16x8192xf32>
    %get3A_323 = arith.constant 0 : index
    %get3A_324 = arith.constant 1 : index
    %get3A_325 = vector.load %arg5[%get3A_323, %get3A_324] : memref<16x2xf32, #tpu.memory_space<vmem>>, vector<16x1xf32>
    %slice3A_326 = vector.extract_strided_slice %get3A_3 {offsets = [25, 0], sizes = [1, 8192], strides = [1, 1]} : vector<32x8192xf32> to vector<1x8192xf32>
    %mul3A_327 = vector.broadcast %get3A_325 : vector<16x1xf32> to vector<16x8192xf32>
    %mul3A_328 = vector.broadcast %slice3A_326 : vector<1x8192xf32> to vector<16x8192xf32>
    %mul3A_329 = arith.mulf %mul3A_327, %mul3A_328 : vector<16x8192xf32>
    %add3A_330 = arith.addf %mul3A_322, %mul3A_329 : vector<16x8192xf32>
    %get3A_331 = arith.constant 0 : index
    %get3A_332 = arith.constant 0 : index
    %get3A_333 = vector.load %arg6[%get3A_331, %get3A_332] : memref<16x1xf32, #tpu.memory_space<vmem>>, vector<16x1xf32>
    %add3A_334 = vector.broadcast %get3A_333 : vector<16x1xf32> to vector<16x8192xf32>
    %add3A_335 = arith.addf %add3A_330, %add3A_334 : vector<16x8192xf32>
    %add3A_336 = arith.addf %add3A_16, %add3A_335 : vector<16x8192xf32>
    %max3A_337 = arith.constant 0.000000e+00 : f32
    %max3A_338 = vector.broadcast %max3A_337 : f32 to vector<16x8192xf32>
    %max3A_339 = arith.maximumf %add3A_336, %max3A_338 : vector<16x8192xf32>
    %add3A_340 = arith.addf %add3A_315, %max3A_339 : vector<16x8192xf32>
    %get3A_341 = arith.constant 0 : index
    %get3A_342 = arith.constant 0 : index
    %get3A_343 = vector.load %arg5[%get3A_341, %get3A_342] : memref<16x2xf32, #tpu.memory_space<vmem>>, vector<16x1xf32>
    %slice3A_344 = vector.extract_strided_slice %get3A_3 {offsets = [26, 0], sizes = [1, 8192], strides = [1, 1]} : vector<32x8192xf32> to vector<1x8192xf32>
    %mul3A_345 = vector.broadcast %get3A_343 : vector<16x1xf32> to vector<16x8192xf32>
    %mul3A_346 = vector.broadcast %slice3A_344 : vector<1x8192xf32> to vector<16x8192xf32>
    %mul3A_347 = arith.mulf %mul3A_345, %mul3A_346 : vector<16x8192xf32>
    %get3A_348 = arith.constant 0 : index
    %get3A_349 = arith.constant 1 : index
    %get3A_350 = vector.load %arg5[%get3A_348, %get3A_349] : memref<16x2xf32, #tpu.memory_space<vmem>>, vector<16x1xf32>
    %slice3A_351 = vector.extract_strided_slice %get3A_3 {offsets = [27, 0], sizes = [1, 8192], strides = [1, 1]} : vector<32x8192xf32> to vector<1x8192xf32>
    %mul3A_352 = vector.broadcast %get3A_350 : vector<16x1xf32> to vector<16x8192xf32>
    %mul3A_353 = vector.broadcast %slice3A_351 : vector<1x8192xf32> to vector<16x8192xf32>
    %mul3A_354 = arith.mulf %mul3A_352, %mul3A_353 : vector<16x8192xf32>
    %add3A_355 = arith.addf %mul3A_347, %mul3A_354 : vector<16x8192xf32>
    %get3A_356 = arith.constant 0 : index
    %get3A_357 = arith.constant 0 : index
    %get3A_358 = vector.load %arg6[%get3A_356, %get3A_357] : memref<16x1xf32, #tpu.memory_space<vmem>>, vector<16x1xf32>
    %add3A_359 = vector.broadcast %get3A_358 : vector<16x1xf32> to vector<16x8192xf32>
    %add3A_360 = arith.addf %add3A_355, %add3A_359 : vector<16x8192xf32>
    %add3A_361 = arith.addf %add3A_16, %add3A_360 : vector<16x8192xf32>
    %max3A_362 = arith.constant 0.000000e+00 : f32
    %max3A_363 = vector.broadcast %max3A_362 : f32 to vector<16x8192xf32>
    %max3A_364 = arith.maximumf %add3A_361, %max3A_363 : vector<16x8192xf32>
    %add3A_365 = arith.addf %add3A_340, %max3A_364 : vector<16x8192xf32>
    %get3A_366 = arith.constant 0 : index
    %get3A_367 = arith.constant 0 : index
    %get3A_368 = vector.load %arg5[%get3A_366, %get3A_367] : memref<16x2xf32, #tpu.memory_space<vmem>>, vector<16x1xf32>
    %slice3A_369 = vector.extract_strided_slice %get3A_3 {offsets = [28, 0], sizes = [1, 8192], strides = [1, 1]} : vector<32x8192xf32> to vector<1x8192xf32>
    %mul3A_370 = vector.broadcast %get3A_368 : vector<16x1xf32> to vector<16x8192xf32>
    %mul3A_371 = vector.broadcast %slice3A_369 : vector<1x8192xf32> to vector<16x8192xf32>
    %mul3A_372 = arith.mulf %mul3A_370, %mul3A_371 : vector<16x8192xf32>
    %get3A_373 = arith.constant 0 : index
    %get3A_374 = arith.constant 1 : index
    %get3A_375 = vector.load %arg5[%get3A_373, %get3A_374] : memref<16x2xf32, #tpu.memory_space<vmem>>, vector<16x1xf32>
    %slice3A_376 = vector.extract_strided_slice %get3A_3 {offsets = [29, 0], sizes = [1, 8192], strides = [1, 1]} : vector<32x8192xf32> to vector<1x8192xf32>
    %mul3A_377 = vector.broadcast %get3A_375 : vector<16x1xf32> to vector<16x8192xf32>
    %mul3A_378 = vector.broadcast %slice3A_376 : vector<1x8192xf32> to vector<16x8192xf32>
    %mul3A_379 = arith.mulf %mul3A_377, %mul3A_378 : vector<16x8192xf32>
    %add3A_380 = arith.addf %mul3A_372, %mul3A_379 : vector<16x8192xf32>
    %get3A_381 = arith.constant 0 : index
    %get3A_382 = arith.constant 0 : index
    %get3A_383 = vector.load %arg6[%get3A_381, %get3A_382] : memref<16x1xf32, #tpu.memory_space<vmem>>, vector<16x1xf32>
    %add3A_384 = vector.broadcast %get3A_383 : vector<16x1xf32> to vector<16x8192xf32>
    %add3A_385 = arith.addf %add3A_380, %add3A_384 : vector<16x8192xf32>
    %add3A_386 = arith.addf %add3A_16, %add3A_385 : vector<16x8192xf32>
    %max3A_387 = arith.constant 0.000000e+00 : f32
    %max3A_388 = vector.broadcast %max3A_387 : f32 to vector<16x8192xf32>
    %max3A_389 = arith.maximumf %add3A_386, %max3A_388 : vector<16x8192xf32>
    %add3A_390 = arith.addf %add3A_365, %max3A_389 : vector<16x8192xf32>
    %get3A_391 = arith.constant 0 : index
    %get3A_392 = arith.constant 0 : index
    %get3A_393 = vector.load %arg5[%get3A_391, %get3A_392] : memref<16x2xf32, #tpu.memory_space<vmem>>, vector<16x1xf32>
    %slice3A_394 = vector.extract_strided_slice %get3A_3 {offsets = [30, 0], sizes = [1, 8192], strides = [1, 1]} : vector<32x8192xf32> to vector<1x8192xf32>
    %mul3A_395 = vector.broadcast %get3A_393 : vector<16x1xf32> to vector<16x8192xf32>
    %mul3A_396 = vector.broadcast %slice3A_394 : vector<1x8192xf32> to vector<16x8192xf32>
    %mul3A_397 = arith.mulf %mul3A_395, %mul3A_396 : vector<16x8192xf32>
    %get3A_398 = arith.constant 0 : index
    %get3A_399 = arith.constant 1 : index
    %get3A_400 = vector.load %arg5[%get3A_398, %get3A_399] : memref<16x2xf32, #tpu.memory_space<vmem>>, vector<16x1xf32>
    %slice3A_401 = vector.extract_strided_slice %get3A_3 {offsets = [31, 0], sizes = [1, 8192], strides = [1, 1]} : vector<32x8192xf32> to vector<1x8192xf32>
    %mul3A_402 = vector.broadcast %get3A_400 : vector<16x1xf32> to vector<16x8192xf32>
    %mul3A_403 = vector.broadcast %slice3A_401 : vector<1x8192xf32> to vector<16x8192xf32>
    %mul3A_404 = arith.mulf %mul3A_402, %mul3A_403 : vector<16x8192xf32>
    %add3A_405 = arith.addf %mul3A_397, %mul3A_404 : vector<16x8192xf32>
    %get3A_406 = arith.constant 0 : index
    %get3A_407 = arith.constant 0 : index
    %get3A_408 = vector.load %arg6[%get3A_406, %get3A_407] : memref<16x1xf32, #tpu.memory_space<vmem>>, vector<16x1xf32>
    %add3A_409 = vector.broadcast %get3A_408 : vector<16x1xf32> to vector<16x8192xf32>
    %add3A_410 = arith.addf %add3A_405, %add3A_409 : vector<16x8192xf32>
    %add3A_411 = arith.addf %add3A_16, %add3A_410 : vector<16x8192xf32>
    %max3A_412 = arith.constant 0.000000e+00 : f32
    %max3A_413 = vector.broadcast %max3A_412 : f32 to vector<16x8192xf32>
    %max3A_414 = arith.maximumf %add3A_411, %max3A_413 : vector<16x8192xf32>
    %add3A_415 = arith.addf %add3A_390, %max3A_414 : vector<16x8192xf32>
    %mul3A_416 = arith.constant 6.250000e-02 : f32
    %mul3A_417 = vector.broadcast %mul3A_416 : f32 to vector<16x8192xf32>
    %mul3A_418 = arith.mulf %add3A_415, %mul3A_417 : vector<16x8192xf32>
    %jit3A = arith.constant 0 : i32
    %convert_element_type3A = arith.sitofp %jit3A : i32 to f32
    %pad3A = vector.broadcast %convert_element_type3A : f32 to vector<16x1xf32>
    %pad3A_419 = tpu.concatenate %pad3A, %mul3A_418 in 1 : vector<16x1xf32>, vector<16x8192xf32> -> vector<16x8193xf32>
    %pad3A_420 = vector.broadcast %convert_element_type3A : f32 to vector<16x1xf32>
    %pad3A_421 = tpu.concatenate %pad3A_419, %pad3A_420 in 1 : vector<16x8193xf32>, vector<16x1xf32> -> vector<16x8194xf32>
    %get3A_422 = arith.constant 0 : index
    %get3A_423 = arith.constant 0 : index
    %get3A_424 = vector.load %arg8[%get3A_422, %get3A_423] : memref<16x1xf32, #tpu.memory_space<vmem>>, vector<16x1xf32>
    %broadcast_in_dim3A_425 = arith.constant 1.000000e+00 : f32
    %broadcast_in_dim3A_426 = vector.broadcast %broadcast_in_dim3A_425 : f32 to vector<1x8192xf32>
    %mul3A_427 = vector.broadcast %get3A_424 : vector<16x1xf32> to vector<16x8192xf32>
    %mul3A_428 = vector.broadcast %broadcast_in_dim3A_426 : vector<1x8192xf32> to vector<16x8192xf32>
    %mul3A_429 = arith.mulf %mul3A_427, %mul3A_428 : vector<16x8192xf32>
    %get3A_430 = arith.constant 0 : index
    %get3A_431 = arith.constant 0 : index
    %get3A_432 = arith.constant 0 : index
    %get3A_433 = vector.load %arg7[%get3A_430, %get3A_431, %get3A_432] : memref<3x16x16xf32, #tpu.memory_space<vmem>>, vector<1x16x16xf32>
    %get3A_434 = vector.shape_cast %get3A_433 : vector<1x16x16xf32> to vector<16x16xf32>
    %slice3A_435 = vector.extract_strided_slice %pad3A_421 {offsets = [0, 0], sizes = [16, 8192], strides = [1, 1]} : vector<16x8194xf32> to vector<16x8192xf32>
    %dot_general3A = arith.constant dense<0.000000e+00> : vector<16x8192xf32>
    %dot_general3A_436 = tpu.matmul %get3A_434, %slice3A_435, %dot_general3A {dimension_numbers = #tpu.dot_dimension_numbers<[1], [0], [0], [1], [0, 0, 1, 1], [], []>, transpose_lhs_hint = false} : vector<16x16xf32>, vector<16x8192xf32>, vector<16x8192xf32> -> vector<16x8192xf32>
    %add3A_437 = arith.addf %mul3A_429, %dot_general3A_436 : vector<16x8192xf32>
    %get3A_438 = arith.constant 1 : index
    %get3A_439 = arith.constant 0 : index
    %get3A_440 = arith.constant 0 : index
    %get3A_441 = vector.load %arg7[%get3A_438, %get3A_439, %get3A_440] : memref<3x16x16xf32, #tpu.memory_space<vmem>>, vector<1x16x16xf32>
    %get3A_442 = vector.shape_cast %get3A_441 : vector<1x16x16xf32> to vector<16x16xf32>
    %slice3A_443 = vector.extract_strided_slice %pad3A_421 {offsets = [0, 1], sizes = [16, 8192], strides = [1, 1]} : vector<16x8194xf32> to vector<16x8192xf32>
    %dot_general3A_444 = arith.constant dense<0.000000e+00> : vector<16x8192xf32>
    %dot_general3A_445 = tpu.matmul %get3A_442, %slice3A_443, %dot_general3A_444 {dimension_numbers = #tpu.dot_dimension_numbers<[1], [0], [0], [1], [0, 0, 1, 1], [], []>, transpose_lhs_hint = false} : vector<16x16xf32>, vector<16x8192xf32>, vector<16x8192xf32> -> vector<16x8192xf32>
    %add3A_446 = arith.addf %add3A_437, %dot_general3A_445 : vector<16x8192xf32>
    %get3A_447 = arith.constant 2 : index
    %get3A_448 = arith.constant 0 : index
    %get3A_449 = arith.constant 0 : index
    %get3A_450 = vector.load %arg7[%get3A_447, %get3A_448, %get3A_449] : memref<3x16x16xf32, #tpu.memory_space<vmem>>, vector<1x16x16xf32>
    %get3A_451 = vector.shape_cast %get3A_450 : vector<1x16x16xf32> to vector<16x16xf32>
    %slice3A_452 = vector.extract_strided_slice %pad3A_421 {offsets = [0, 2], sizes = [16, 8192], strides = [1, 1]} : vector<16x8194xf32> to vector<16x8192xf32>
    %dot_general3A_453 = arith.constant dense<0.000000e+00> : vector<16x8192xf32>
    %dot_general3A_454 = tpu.matmul %get3A_451, %slice3A_452, %dot_general3A_453 {dimension_numbers = #tpu.dot_dimension_numbers<[1], [0], [0], [1], [0, 0, 1, 1], [], []>, transpose_lhs_hint = false} : vector<16x16xf32>, vector<16x8192xf32>, vector<16x8192xf32> -> vector<16x8192xf32>
    %add3A_455 = arith.addf %add3A_446, %dot_general3A_454 : vector<16x8192xf32>
    %swap3A = arith.constant 0 : index
    %swap3A_456 = arith.constant 0 : index
    %swap3A_457 = arith.constant 0 : index
    %swap3A_458 = vector.load %arg9[%swap3A, %swap3A_456, %swap3A_457] : memref<1x16x8192xf32, #tpu.memory_space<vmem>>, vector<1x16x8192xf32>
    %swap3A_459 = vector.shape_cast %swap3A_458 : vector<1x16x8192xf32> to vector<16x8192xf32>
    %swap3A_460 = vector.shape_cast %add3A_455 : vector<16x8192xf32> to vector<1x16x8192xf32>
    tpu.vector_store %arg9[%swap3A, %swap3A_456, %swap3A_457], %swap3A_460 {strides = array<i32>} : memref<1x16x8192xf32, #tpu.memory_space<vmem>>, vector<1x16x8192xf32>,
    %reduce_sum3A = arith.constant dense<0.000000e+00> : vector<16xf32>
    %reduce_sum3A_461 = vector.multi_reduction <add>, %add3A_455, %reduce_sum3A [1] : vector<16x8192xf32> to vector<16xf32>
    %broadcast_in_dim3A_462 = vector.shape_cast %reduce_sum3A_461 : vector<16xf32> to vector<16x1xf32>
    %broadcast_in_dim3A_463 = vector.shape_cast %broadcast_in_dim3A_462 : vector<16x1xf32> to vector<16x1xf32>
    %broadcast_in_dim3A_464 = vector.broadcast %broadcast_in_dim3A_463 : vector<16x1xf32> to vector<16x128xf32>
    %mul3A_465 = arith.mulf %add3A_455, %add3A_455 : vector<16x8192xf32>
    %reduce_sum3A_466 = arith.constant dense<0.000000e+00> : vector<16xf32>
    %reduce_sum3A_467 = vector.multi_reduction <add>, %mul3A_465, %reduce_sum3A_466 [1] : vector<16x8192xf32> to vector<16xf32>
    %broadcast_in_dim3A_468 = vector.shape_cast %reduce_sum3A_467 : vector<16xf32> to vector<16x1xf32>
    %broadcast_in_dim3A_469 = vector.shape_cast %broadcast_in_dim3A_468 : vector<16x1xf32> to vector<16x1xf32>
    %broadcast_in_dim3A_470 = vector.broadcast %broadcast_in_dim3A_469 : vector<16x1xf32> to vector<16x128xf32>
    %eq3A = arith.constant 0 : i32
    %eq3A_471 = arith.cmpi eq, %arg0, %eq3A : i32
    %convert_element_type3A_472 = arith.extui %eq3A_471 : i1 to i32
    %cond3A = arith.constant 0 : i32
    %cond3A_473 = arith.cmpi ne, %convert_element_type3A_472, %cond3A : i32
    scf.if %cond3A_473 {
      %swap3A_478 = arith.constant 0 : index
      %swap3A_479 = arith.constant 0 : index
      %swap3A_480 = vector.load %arg10[%swap3A_478, %swap3A_479] : memref<16x128xf32, #tpu.memory_space<vmem>>, vector<16x128xf32>
      tpu.vector_store %arg10[%swap3A_478, %swap3A_479], %broadcast_in_dim3A_464 {strides = array<i32>} : memref<16x128xf32, #tpu.memory_space<vmem>>, vector<16x128xf32>,
      %swap3A_481 = arith.constant 0 : index
      %swap3A_482 = arith.constant 0 : index
      %swap3A_483 = vector.load %arg11[%swap3A_481, %swap3A_482] : memref<16x128xf32, #tpu.memory_space<vmem>>, vector<16x128xf32>
      tpu.vector_store %arg11[%swap3A_481, %swap3A_482], %broadcast_in_dim3A_470 {strides = array<i32>} : memref<16x128xf32, #tpu.memory_space<vmem>>, vector<16x128xf32>,
    } else {
    }
    %gt3A = arith.constant 0 : i32
    %gt3A_474 = arith.cmpi sgt, %arg0, %gt3A : i32
    %convert_element_type3A_475 = arith.extui %gt3A_474 : i1 to i32
    %cond3A_476 = arith.constant 0 : i32
    %cond3A_477 = arith.cmpi ne, %convert_element_type3A_475, %cond3A_476 : i32
    scf.if %cond3A_477 {
      %get3A_478 = arith.constant 0 : index
      %get3A_479 = arith.constant 0 : index
      %get3A_480 = vector.load %arg10[%get3A_478, %get3A_479] : memref<16x128xf32, #tpu.memory_space<vmem>>, vector<16x128xf32>
      %add3A_481 = arith.addf %get3A_480, %broadcast_in_dim3A_464 : vector<16x128xf32>
      %swap3A_482 = arith.constant 0 : index
      %swap3A_483 = arith.constant 0 : index
      %swap3A_484 = vector.load %arg10[%swap3A_482, %swap3A_483] : memref<16x128xf32, #tpu.memory_space<vmem>>, vector<16x128xf32>
      tpu.vector_store %arg10[%swap3A_482, %swap3A_483], %add3A_481 {strides = array<i32>} : memref<16x128xf32, #tpu.memory_space<vmem>>, vector<16x128xf32>,
      %get3A_485 = arith.constant 0 : index
      %get3A_486 = arith.constant 0 : index
      %get3A_487 = vector.load %arg11[%get3A_485, %get3A_486] : memref<16x128xf32, #tpu.memory_space<vmem>>, vector<16x128xf32>
      %add3A_488 = arith.addf %get3A_487, %broadcast_in_dim3A_470 : vector<16x128xf32>
      %swap3A_489 = arith.constant 0 : index
      %swap3A_490 = arith.constant 0 : index
      %swap3A_491 = vector.load %arg11[%swap3A_489, %swap3A_490] : memref<16x128xf32, #tpu.memory_space<vmem>>, vector<16x128xf32>
      tpu.vector_store %arg11[%swap3A_489, %swap3A_490], %add3A_488 {strides = array<i32>} : memref<16x128xf32, #tpu.memory_space<vmem>>, vector<16x128xf32>,
    } else {
    }
    return
  }
  func.func @transform_0(%arg0: i32) -> (i32, i32, i32) {
    %c0_i32 = arith.constant 0 : i32
    %c0_i32_0 = arith.constant 0 : i32
    %c0_i32_1 = arith.constant 0 : i32
    return %arg0, %c0_i32, %c0_i32_0 : i32, i32, i32
  }
  func.func @transform_1(%arg0: i32) -> (i32, i32, i32) {
    %c0_i32 = arith.constant 0 : i32
    %c0_i32_0 = arith.constant 0 : i32
    %c0_i32_1 = arith.constant 0 : i32
    return %arg0, %c0_i32, %c0_i32_0 : i32, i32, i32
  }
  func.func @transform_2(%arg0: i32) -> (i32, i32) {
    %c0_i32 = arith.constant 0 : i32
    %c0_i32_0 = arith.constant 0 : i32
    %c0_i32_1 = arith.constant 0 : i32
    return %c0_i32, %c0_i32_0 : i32, i32
  }
  func.func @transform_3(%arg0: i32) -> (i32, i32) {
    %c0_i32 = arith.constant 0 : i32
    %c0_i32_0 = arith.constant 0 : i32
    %c0_i32_1 = arith.constant 0 : i32
    return %c0_i32, %c0_i32_0 : i32, i32
  }
  func.func @transform_4(%arg0: i32) -> (i32, i32) {
    %c0_i32 = arith.constant 0 : i32
    %c0_i32_0 = arith.constant 0 : i32
    %c0_i32_1 = arith.constant 0 : i32
    return %c0_i32, %c0_i32_0 : i32, i32
  }
  func.func @transform_5(%arg0: i32) -> (i32, i32) {
    %c0_i32 = arith.constant 0 : i32
    %c0_i32_0 = arith.constant 0 : i32
    %c0_i32_1 = arith.constant 0 : i32
    return %c0_i32, %c0_i32_0 : i32, i32
  }
  func.func @transform_6(%arg0: i32) -> (i32, i32, i32) {
    %c0_i32 = arith.constant 0 : i32
    %c0_i32_0 = arith.constant 0 : i32
    %c0_i32_1 = arith.constant 0 : i32
    %c0_i32_2 = arith.constant 0 : i32
    return %c0_i32, %c0_i32_0, %c0_i32_1 : i32, i32, i32
  }
  func.func @transform_7(%arg0: i32) -> (i32, i32) {
    %c0_i32 = arith.constant 0 : i32
    %c0_i32_0 = arith.constant 0 : i32
    %c0_i32_1 = arith.constant 0 : i32
    return %c0_i32, %c0_i32_0 : i32, i32
  }
  func.func @transform_8(%arg0: i32) -> (i32, i32, i32) {
    %c0_i32 = arith.constant 0 : i32
    %c0_i32_0 = arith.constant 0 : i32
    %c0_i32_1 = arith.constant 0 : i32
    return %arg0, %c0_i32, %c0_i32_0 : i32, i32, i32
  }
  func.func @transform_9(%arg0: i32) -> (i32, i32) {
    %c0_i32 = arith.constant 0 : i32
    %c0_i32_0 = arith.constant 0 : i32
    %c0_i32_1 = arith.constant 0 : i32
    return %c0_i32, %c0_i32_0 : i32, i32
  }
  func.func @transform_10(%arg0: i32) -> (i32, i32) {
    %c0_i32 = arith.constant 0 : i32
    %c0_i32_0 = arith.constant 0 : i32
    %c0_i32_1 = arith.constant 0 : i32
    return %c0_i32, %c0_i32_0 : i32, i32
  }
}

module attributes {stable_mosaic.version = 14 : i64} {
  func.func @_stage1_body(%arg0: i32, %arg1: memref<1x32x8192xf32, #tpu.memory_space<vmem>>, %arg2: memref<3x16x32xf32, #tpu.memory_space<vmem>>, %arg3: memref<16x1xf32, #tpu.memory_space<vmem>>, %arg4: memref<1x16x8192xf32, #tpu.memory_space<vmem>>, %arg5: memref<16x128xf32, #tpu.memory_space<vmem>>, %arg6: memref<16x128xf32, #tpu.memory_space<vmem>>) attributes {dimension_semantics = [#tpu.dimension_semantics<arbitrary>], iteration_bounds = array<i64: 32>, scalar_prefetch = 0 : i64, scratch_operands = 0 : i64, tpu.core_type = #tpu.core_type<tc>, window_params = [{transform_indices = @transform_0, window_bounds = array<i64: 1, 32, 8192>}, {pipeline_mode = #tpu.pipeline_mode<synchronous>, transform_indices = @transform_1, window_bounds = array<i64: 3, 16, 32>}, {pipeline_mode = #tpu.pipeline_mode<synchronous>, transform_indices = @transform_2, window_bounds = array<i64: 16, 1>}, {transform_indices = @transform_3, window_bounds = array<i64: 1, 16, 8192>}, {pipeline_mode = #tpu.pipeline_mode<synchronous>, transform_indices = @transform_4, window_bounds = array<i64: 16, 128>}, {pipeline_mode = #tpu.pipeline_mode<synchronous>, transform_indices = @transform_5, window_bounds = array<i64: 16, 128>}]} {
    %get3A = arith.constant 0 : index
    %get3A_0 = arith.constant 0 : index
    %get3A_1 = arith.constant 0 : index
    %get3A_2 = vector.load %arg1[%get3A, %get3A_0, %get3A_1] : memref<1x32x8192xf32, #tpu.memory_space<vmem>>, vector<1x32x8192xf32>
    %get3A_3 = vector.shape_cast %get3A_2 : vector<1x32x8192xf32> to vector<32x8192xf32>
    %jit3A = arith.constant 0 : i32
    %convert_element_type3A = arith.sitofp %jit3A : i32 to f32
    %pad3A = vector.broadcast %convert_element_type3A : f32 to vector<32x1xf32>
    %pad3A_4 = tpu.concatenate %pad3A, %get3A_3 in 1 : vector<32x1xf32>, vector<32x8192xf32> -> vector<32x8193xf32>
    %pad3A_5 = vector.broadcast %convert_element_type3A : f32 to vector<32x1xf32>
    %pad3A_6 = tpu.concatenate %pad3A_4, %pad3A_5 in 1 : vector<32x8193xf32>, vector<32x1xf32> -> vector<32x8194xf32>
    %get3A_7 = arith.constant 0 : index
    %get3A_8 = arith.constant 0 : index
    %get3A_9 = vector.load %arg3[%get3A_7, %get3A_8] : memref<16x1xf32, #tpu.memory_space<vmem>>, vector<16x1xf32>
    %broadcast_in_dim3A = arith.constant 1.000000e+00 : f32
    %broadcast_in_dim3A_10 = vector.broadcast %broadcast_in_dim3A : f32 to vector<1x8192xf32>
    %mul3A = vector.broadcast %get3A_9 : vector<16x1xf32> to vector<16x8192xf32>
    %mul3A_11 = vector.broadcast %broadcast_in_dim3A_10 : vector<1x8192xf32> to vector<16x8192xf32>
    %mul3A_12 = arith.mulf %mul3A, %mul3A_11 : vector<16x8192xf32>
    %get3A_13 = arith.constant 0 : index
    %get3A_14 = arith.constant 0 : index
    %get3A_15 = arith.constant 0 : index
    %get3A_16 = vector.load %arg2[%get3A_13, %get3A_14, %get3A_15] : memref<3x16x32xf32, #tpu.memory_space<vmem>>, vector<1x16x32xf32>
    %get3A_17 = vector.shape_cast %get3A_16 : vector<1x16x32xf32> to vector<16x32xf32>
    %slice3A = vector.extract_strided_slice %pad3A_6 {offsets = [0, 0], sizes = [32, 8192], strides = [1, 1]} : vector<32x8194xf32> to vector<32x8192xf32>
    %dot_general3A = arith.constant dense<0.000000e+00> : vector<16x8192xf32>
    %dot_general3A_18 = tpu.matmul %get3A_17, %slice3A, %dot_general3A {dimension_numbers = #tpu.dot_dimension_numbers<[1], [0], [0], [1], [0, 0, 1, 1], [], []>, transpose_lhs_hint = false} : vector<16x32xf32>, vector<32x8192xf32>, vector<16x8192xf32> -> vector<16x8192xf32>
    %add3A = arith.addf %mul3A_12, %dot_general3A_18 : vector<16x8192xf32>
    %get3A_19 = arith.constant 1 : index
    %get3A_20 = arith.constant 0 : index
    %get3A_21 = arith.constant 0 : index
    %get3A_22 = vector.load %arg2[%get3A_19, %get3A_20, %get3A_21] : memref<3x16x32xf32, #tpu.memory_space<vmem>>, vector<1x16x32xf32>
    %get3A_23 = vector.shape_cast %get3A_22 : vector<1x16x32xf32> to vector<16x32xf32>
    %slice3A_24 = vector.extract_strided_slice %pad3A_6 {offsets = [0, 1], sizes = [32, 8192], strides = [1, 1]} : vector<32x8194xf32> to vector<32x8192xf32>
    %dot_general3A_25 = arith.constant dense<0.000000e+00> : vector<16x8192xf32>
    %dot_general3A_26 = tpu.matmul %get3A_23, %slice3A_24, %dot_general3A_25 {dimension_numbers = #tpu.dot_dimension_numbers<[1], [0], [0], [1], [0, 0, 1, 1], [], []>, transpose_lhs_hint = false} : vector<16x32xf32>, vector<32x8192xf32>, vector<16x8192xf32> -> vector<16x8192xf32>
    %add3A_27 = arith.addf %add3A, %dot_general3A_26 : vector<16x8192xf32>
    %get3A_28 = arith.constant 2 : index
    %get3A_29 = arith.constant 0 : index
    %get3A_30 = arith.constant 0 : index
    %get3A_31 = vector.load %arg2[%get3A_28, %get3A_29, %get3A_30] : memref<3x16x32xf32, #tpu.memory_space<vmem>>, vector<1x16x32xf32>
    %get3A_32 = vector.shape_cast %get3A_31 : vector<1x16x32xf32> to vector<16x32xf32>
    %slice3A_33 = vector.extract_strided_slice %pad3A_6 {offsets = [0, 2], sizes = [32, 8192], strides = [1, 1]} : vector<32x8194xf32> to vector<32x8192xf32>
    %dot_general3A_34 = arith.constant dense<0.000000e+00> : vector<16x8192xf32>
    %dot_general3A_35 = tpu.matmul %get3A_32, %slice3A_33, %dot_general3A_34 {dimension_numbers = #tpu.dot_dimension_numbers<[1], [0], [0], [1], [0, 0, 1, 1], [], []>, transpose_lhs_hint = false} : vector<16x32xf32>, vector<32x8192xf32>, vector<16x8192xf32> -> vector<16x8192xf32>
    %add3A_36 = arith.addf %add3A_27, %dot_general3A_35 : vector<16x8192xf32>
    %swap3A = arith.constant 0 : index
    %swap3A_37 = arith.constant 0 : index
    %swap3A_38 = arith.constant 0 : index
    %swap3A_39 = vector.load %arg4[%swap3A, %swap3A_37, %swap3A_38] : memref<1x16x8192xf32, #tpu.memory_space<vmem>>, vector<1x16x8192xf32>
    %swap3A_40 = vector.shape_cast %swap3A_39 : vector<1x16x8192xf32> to vector<16x8192xf32>
    %swap3A_41 = vector.shape_cast %add3A_36 : vector<16x8192xf32> to vector<1x16x8192xf32>
    tpu.vector_store %arg4[%swap3A, %swap3A_37, %swap3A_38], %swap3A_41 {strides = array<i32>} : memref<1x16x8192xf32, #tpu.memory_space<vmem>>, vector<1x16x8192xf32>,
    %reduce_sum3A = arith.constant dense<0.000000e+00> : vector<16xf32>
    %reduce_sum3A_42 = vector.multi_reduction <add>, %add3A_36, %reduce_sum3A [1] : vector<16x8192xf32> to vector<16xf32>
    %broadcast_in_dim3A_43 = vector.shape_cast %reduce_sum3A_42 : vector<16xf32> to vector<16x1xf32>
    %broadcast_in_dim3A_44 = vector.shape_cast %broadcast_in_dim3A_43 : vector<16x1xf32> to vector<16x1xf32>
    %broadcast_in_dim3A_45 = vector.broadcast %broadcast_in_dim3A_44 : vector<16x1xf32> to vector<16x128xf32>
    %mul3A_46 = arith.mulf %add3A_36, %add3A_36 : vector<16x8192xf32>
    %reduce_sum3A_47 = arith.constant dense<0.000000e+00> : vector<16xf32>
    %reduce_sum3A_48 = vector.multi_reduction <add>, %mul3A_46, %reduce_sum3A_47 [1] : vector<16x8192xf32> to vector<16xf32>
    %broadcast_in_dim3A_49 = vector.shape_cast %reduce_sum3A_48 : vector<16xf32> to vector<16x1xf32>
    %broadcast_in_dim3A_50 = vector.shape_cast %broadcast_in_dim3A_49 : vector<16x1xf32> to vector<16x1xf32>
    %broadcast_in_dim3A_51 = vector.broadcast %broadcast_in_dim3A_50 : vector<16x1xf32> to vector<16x128xf32>
    %eq3A = arith.constant 0 : i32
    %eq3A_52 = arith.cmpi eq, %arg0, %eq3A : i32
    %convert_element_type3A_53 = arith.extui %eq3A_52 : i1 to i32
    %cond3A = arith.constant 0 : i32
    %cond3A_54 = arith.cmpi ne, %convert_element_type3A_53, %cond3A : i32
    scf.if %cond3A_54 {
      %swap3A_59 = arith.constant 0 : index
      %swap3A_60 = arith.constant 0 : index
      %swap3A_61 = vector.load %arg5[%swap3A_59, %swap3A_60] : memref<16x128xf32, #tpu.memory_space<vmem>>, vector<16x128xf32>
      tpu.vector_store %arg5[%swap3A_59, %swap3A_60], %broadcast_in_dim3A_45 {strides = array<i32>} : memref<16x128xf32, #tpu.memory_space<vmem>>, vector<16x128xf32>,
      %swap3A_62 = arith.constant 0 : index
      %swap3A_63 = arith.constant 0 : index
      %swap3A_64 = vector.load %arg6[%swap3A_62, %swap3A_63] : memref<16x128xf32, #tpu.memory_space<vmem>>, vector<16x128xf32>
      tpu.vector_store %arg6[%swap3A_62, %swap3A_63], %broadcast_in_dim3A_51 {strides = array<i32>} : memref<16x128xf32, #tpu.memory_space<vmem>>, vector<16x128xf32>,
    } else {
    }
    %gt3A = arith.constant 0 : i32
    %gt3A_55 = arith.cmpi sgt, %arg0, %gt3A : i32
    %convert_element_type3A_56 = arith.extui %gt3A_55 : i1 to i32
    %cond3A_57 = arith.constant 0 : i32
    %cond3A_58 = arith.cmpi ne, %convert_element_type3A_56, %cond3A_57 : i32
    scf.if %cond3A_58 {
      %get3A_59 = arith.constant 0 : index
      %get3A_60 = arith.constant 0 : index
      %get3A_61 = vector.load %arg5[%get3A_59, %get3A_60] : memref<16x128xf32, #tpu.memory_space<vmem>>, vector<16x128xf32>
      %add3A_62 = arith.addf %get3A_61, %broadcast_in_dim3A_45 : vector<16x128xf32>
      %swap3A_63 = arith.constant 0 : index
      %swap3A_64 = arith.constant 0 : index
      %swap3A_65 = vector.load %arg5[%swap3A_63, %swap3A_64] : memref<16x128xf32, #tpu.memory_space<vmem>>, vector<16x128xf32>
      tpu.vector_store %arg5[%swap3A_63, %swap3A_64], %add3A_62 {strides = array<i32>} : memref<16x128xf32, #tpu.memory_space<vmem>>, vector<16x128xf32>,
      %get3A_66 = arith.constant 0 : index
      %get3A_67 = arith.constant 0 : index
      %get3A_68 = vector.load %arg6[%get3A_66, %get3A_67] : memref<16x128xf32, #tpu.memory_space<vmem>>, vector<16x128xf32>
      %add3A_69 = arith.addf %get3A_68, %broadcast_in_dim3A_51 : vector<16x128xf32>
      %swap3A_70 = arith.constant 0 : index
      %swap3A_71 = arith.constant 0 : index
      %swap3A_72 = vector.load %arg6[%swap3A_70, %swap3A_71] : memref<16x128xf32, #tpu.memory_space<vmem>>, vector<16x128xf32>
      tpu.vector_store %arg6[%swap3A_70, %swap3A_71], %add3A_69 {strides = array<i32>} : memref<16x128xf32, #tpu.memory_space<vmem>>, vector<16x128xf32>,
    } else {
    }
    return
  }
  func.func @transform_0(%arg0: i32) -> (i32, i32, i32) {
    %c0_i32 = arith.constant 0 : i32
    %c0_i32_0 = arith.constant 0 : i32
    %c0_i32_1 = arith.constant 0 : i32
    return %arg0, %c0_i32, %c0_i32_0 : i32, i32, i32
  }
  func.func @transform_1(%arg0: i32) -> (i32, i32, i32) {
    %c0_i32 = arith.constant 0 : i32
    %c0_i32_0 = arith.constant 0 : i32
    %c0_i32_1 = arith.constant 0 : i32
    %c0_i32_2 = arith.constant 0 : i32
    return %c0_i32, %c0_i32_0, %c0_i32_1 : i32, i32, i32
  }
  func.func @transform_2(%arg0: i32) -> (i32, i32) {
    %c0_i32 = arith.constant 0 : i32
    %c0_i32_0 = arith.constant 0 : i32
    %c0_i32_1 = arith.constant 0 : i32
    return %c0_i32, %c0_i32_0 : i32, i32
  }
  func.func @transform_3(%arg0: i32) -> (i32, i32, i32) {
    %c0_i32 = arith.constant 0 : i32
    %c0_i32_0 = arith.constant 0 : i32
    %c0_i32_1 = arith.constant 0 : i32
    return %arg0, %c0_i32, %c0_i32_0 : i32, i32, i32
  }
  func.func @transform_4(%arg0: i32) -> (i32, i32) {
    %c0_i32 = arith.constant 0 : i32
    %c0_i32_0 = arith.constant 0 : i32
    %c0_i32_1 = arith.constant 0 : i32
    return %c0_i32, %c0_i32_0 : i32, i32
  }
  func.func @transform_5(%arg0: i32) -> (i32, i32) {
    %c0_i32 = arith.constant 0 : i32
    %c0_i32_0 = arith.constant 0 : i32
    %c0_i32_1 = arith.constant 0 : i32
    return %c0_i32, %c0_i32_0 : i32, i32
  }
}

module attributes {stable_mosaic.version = 14 : i64} {
  func.func @_stage3_body(%arg0: i32, %arg1: i32, %arg2: memref<1x512x128xf32, #tpu.memory_space<vmem>>, %arg3: memref<1x512x128xf32, #tpu.memory_space<vmem>>, %arg4: memref<1x16x512x8xf32, #tpu.memory_space<vmem>>, %arg5: memref<1x16x512x8xf32, #tpu.memory_space<vmem>>, %arg6: memref<8x128xf32, #tpu.memory_space<vmem>>, %arg7: memref<16x1xf32, #tpu.memory_space<vmem>>, %arg8: memref<16x1xf32, #tpu.memory_space<vmem>>, %arg9: memref<16x1xf32, #tpu.memory_space<vmem>>, %arg10: memref<16x1xf32, #tpu.memory_space<vmem>>, %arg11: memref<16x2xf32, #tpu.memory_space<vmem>>, %arg12: memref<16x1xf32, #tpu.memory_space<vmem>>, %arg13: memref<1x16x512x128xf32, #tpu.memory_space<vmem>>) attributes {dimension_semantics = [#tpu.dimension_semantics<arbitrary>, #tpu.dimension_semantics<arbitrary>], iteration_bounds = array<i64: 32, 2>, scalar_prefetch = 0 : i64, scratch_operands = 0 : i64, tpu.core_type = #tpu.core_type<tc>, window_params = [{transform_indices = @transform_0, window_bounds = array<i64: 1, 512, 128>}, {transform_indices = @transform_1, window_bounds = array<i64: 1, 512, 128>}, {transform_indices = @transform_2, window_bounds = array<i64: 1, 16, 512, 8>}, {transform_indices = @transform_3, window_bounds = array<i64: 1, 16, 512, 8>}, {pipeline_mode = #tpu.pipeline_mode<synchronous>, transform_indices = @transform_4, window_bounds = array<i64: 8, 128>}, {pipeline_mode = #tpu.pipeline_mode<synchronous>, transform_indices = @transform_5, window_bounds = array<i64: 16, 1>}, {pipeline_mode = #tpu.pipeline_mode<synchronous>, transform_indices = @transform_6, window_bounds = array<i64: 16, 1>}, {pipeline_mode = #tpu.pipeline_mode<synchronous>, transform_indices = @transform_7, window_bounds = array<i64: 16, 1>}, {pipeline_mode = #tpu.pipeline_mode<synchronous>, transform_indices = @transform_8, window_bounds = array<i64: 16, 1>}, {pipeline_mode = #tpu.pipeline_mode<synchronous>, transform_indices = @transform_9, window_bounds = array<i64: 16, 2>}, {pipeline_mode = #tpu.pipeline_mode<synchronous>, transform_indices = @transform_10, window_bounds = array<i64: 16, 1>}, {transform_indices = @transform_11, window_bounds = array<i64: 1, 16, 512, 128>}]} {
    %get3A = arith.constant 0 : index
    %get3A_0 = arith.constant 0 : index
    %get3A_1 = arith.constant 0 : index
    %get3A_2 = vector.load %arg2[%get3A, %get3A_0, %get3A_1] : memref<1x512x128xf32, #tpu.memory_space<vmem>>, vector<1x512x128xf32>
    %get3A_3 = vector.shape_cast %get3A_2 : vector<1x512x128xf32> to vector<512x128xf32>
    %get3A_4 = arith.constant 0 : index
    %get3A_5 = arith.constant 0 : index
    %get3A_6 = arith.constant 0 : index
    %get3A_7 = vector.load %arg3[%get3A_4, %get3A_5, %get3A_6] : memref<1x512x128xf32, #tpu.memory_space<vmem>>, vector<1x512x128xf32>
    %get3A_8 = vector.shape_cast %get3A_7 : vector<1x512x128xf32> to vector<512x128xf32>
    %get3A_9 = arith.constant 0 : index
    %get3A_10 = arith.constant 0 : index
    %get3A_11 = vector.load %arg6[%get3A_9, %get3A_10] : memref<8x128xf32, #tpu.memory_space<vmem>>, vector<8x128xf32>
    %get3A_12 = arith.constant 0 : index
    %get3A_13 = arith.constant 0 : index
    %get3A_14 = vector.load %arg7[%get3A_12, %get3A_13] : memref<16x1xf32, #tpu.memory_space<vmem>>, vector<1x1xf32>
    %get3A_15 = arith.constant 0 : index
    %get3A_16 = arith.constant 0 : index
    %get3A_17 = arith.constant 0 : index
    %get3A_18 = arith.constant 0 : index
    %get3A_19 = vector.load %arg4[%get3A_15, %get3A_16, %get3A_17, %get3A_18] : memref<1x16x512x8xf32, #tpu.memory_space<vmem>>, vector<1x1x512x8xf32>
    %get3A_20 = vector.shape_cast %get3A_19 : vector<1x1x512x8xf32> to vector<512x8xf32>
    %mul3A = vector.broadcast %get3A_14 : vector<1x1xf32> to vector<512x8xf32>
    %mul3A_21 = arith.mulf %mul3A, %get3A_20 : vector<512x8xf32>
    %get3A_22 = arith.constant 0 : index
    %get3A_23 = arith.constant 0 : index
    %get3A_24 = vector.load %arg8[%get3A_22, %get3A_23] : memref<16x1xf32, #tpu.memory_space<vmem>>, vector<1x1xf32>
    %add3A = vector.broadcast %get3A_24 : vector<1x1xf32> to vector<512x8xf32>
    %add3A_25 = arith.addf %mul3A_21, %add3A : vector<512x8xf32>
    %get3A_26 = arith.constant 0 : index
    %get3A_27 = arith.constant 0 : index
    %get3A_28 = vector.load %arg9[%get3A_26, %get3A_27] : memref<16x1xf32, #tpu.memory_space<vmem>>, vector<1x1xf32>
    %get3A_29 = arith.constant 0 : index
    %get3A_30 = arith.constant 0 : index
    %get3A_31 = arith.constant 0 : index
    %get3A_32 = arith.constant 0 : index
    %get3A_33 = vector.load %arg5[%get3A_29, %get3A_30, %get3A_31, %get3A_32] : memref<1x16x512x8xf32, #tpu.memory_space<vmem>>, vector<1x1x512x8xf32>
    %get3A_34 = vector.shape_cast %get3A_33 : vector<1x1x512x8xf32> to vector<512x8xf32>
    %mul3A_35 = vector.broadcast %get3A_28 : vector<1x1xf32> to vector<512x8xf32>
    %mul3A_36 = arith.mulf %mul3A_35, %get3A_34 : vector<512x8xf32>
    %get3A_37 = arith.constant 0 : index
    %get3A_38 = arith.constant 0 : index
    %get3A_39 = vector.load %arg10[%get3A_37, %get3A_38] : memref<16x1xf32, #tpu.memory_space<vmem>>, vector<1x1xf32>
    %add3A_40 = vector.broadcast %get3A_39 : vector<1x1xf32> to vector<512x8xf32>
    %add3A_41 = arith.addf %mul3A_36, %add3A_40 : vector<512x8xf32>
    %dot_general3A = arith.constant dense<0.000000e+00> : vector<512x128xf32>
    %dot_general3A_42 = tpu.matmul %add3A_25, %get3A_11, %dot_general3A {dimension_numbers = #tpu.dot_dimension_numbers<[1], [0], [0], [1], [0, 0, 1, 1], [], []>, transpose_lhs_hint = false} : vector<512x8xf32>, vector<8x128xf32>, vector<512x128xf32> -> vector<512x128xf32>
    %dot_general3A_43 = arith.constant dense<0.000000e+00> : vector<512x128xf32>
    %dot_general3A_44 = tpu.matmul %add3A_41, %get3A_11, %dot_general3A_43 {dimension_numbers = #tpu.dot_dimension_numbers<[1], [0], [0], [1], [0, 0, 1, 1], [], []>, transpose_lhs_hint = false} : vector<512x8xf32>, vector<8x128xf32>, vector<512x128xf32> -> vector<512x128xf32>
    %get3A_45 = arith.constant 0 : index
    %get3A_46 = arith.constant 0 : index
    %get3A_47 = vector.load %arg11[%get3A_45, %get3A_46] : memref<16x2xf32, #tpu.memory_space<vmem>>, vector<1x1xf32>
    %mul3A_48 = vector.broadcast %get3A_47 : vector<1x1xf32> to vector<512x128xf32>
    %mul3A_49 = arith.mulf %mul3A_48, %get3A_3 : vector<512x128xf32>
    %get3A_50 = arith.constant 0 : index
    %get3A_51 = arith.constant 1 : index
    %get3A_52 = vector.load %arg11[%get3A_50, %get3A_51] : memref<16x2xf32, #tpu.memory_space<vmem>>, vector<1x1xf32>
    %mul3A_53 = vector.broadcast %get3A_52 : vector<1x1xf32> to vector<512x128xf32>
    %mul3A_54 = arith.mulf %mul3A_53, %get3A_8 : vector<512x128xf32>
    %add3A_55 = arith.addf %mul3A_49, %mul3A_54 : vector<512x128xf32>
    %get3A_56 = arith.constant 0 : index
    %get3A_57 = arith.constant 0 : index
    %get3A_58 = vector.load %arg12[%get3A_56, %get3A_57] : memref<16x1xf32, #tpu.memory_space<vmem>>, vector<1x1xf32>
    %add3A_59 = vector.broadcast %get3A_58 : vector<1x1xf32> to vector<512x128xf32>
    %add3A_60 = arith.addf %add3A_55, %add3A_59 : vector<512x128xf32>
    %add3A_61 = arith.addf %dot_general3A_42, %add3A_60 : vector<512x128xf32>
    %max3A = arith.constant 0.000000e+00 : f32
    %max3A_62 = vector.broadcast %max3A : f32 to vector<512x128xf32>
    %max3A_63 = arith.maximumf %add3A_61, %max3A_62 : vector<512x128xf32>
    %add3A_64 = arith.addf %dot_general3A_44, %max3A_63 : vector<512x128xf32>
    %max3A_65 = arith.constant 0.000000e+00 : f32
    %max3A_66 = vector.broadcast %max3A_65 : f32 to vector<512x128xf32>
    %max3A_67 = arith.maximumf %add3A_64, %max3A_66 : vector<512x128xf32>
    %swap3A = arith.constant 0 : index
    %swap3A_68 = arith.constant 0 : index
    %swap3A_69 = arith.constant 0 : index
    %swap3A_70 = arith.constant 0 : index
    %swap3A_71 = vector.load %arg13[%swap3A, %swap3A_68, %swap3A_69, %swap3A_70] : memref<1x16x512x128xf32, #tpu.memory_space<vmem>>, vector<1x1x512x128xf32>
    %swap3A_72 = vector.shape_cast %swap3A_71 : vector<1x1x512x128xf32> to vector<512x128xf32>
    %swap3A_73 = vector.shape_cast %max3A_67 : vector<512x128xf32> to vector<1x1x512x128xf32>
    tpu.vector_store %arg13[%swap3A, %swap3A_68, %swap3A_69, %swap3A_70], %swap3A_73 {strides = array<i32>} : memref<1x16x512x128xf32, #tpu.memory_space<vmem>>, vector<1x1x512x128xf32>,
    %get3A_74 = arith.constant 1 : index
    %get3A_75 = arith.constant 0 : index
    %get3A_76 = vector.load %arg7[%get3A_74, %get3A_75] : memref<16x1xf32, #tpu.memory_space<vmem>>, vector<1x1xf32>
    %get3A_77 = arith.constant 0 : index
    %get3A_78 = arith.constant 1 : index
    %get3A_79 = arith.constant 0 : index
    %get3A_80 = arith.constant 0 : index
    %get3A_81 = vector.load %arg4[%get3A_77, %get3A_78, %get3A_79, %get3A_80] : memref<1x16x512x8xf32, #tpu.memory_space<vmem>>, vector<1x1x512x8xf32>
    %get3A_82 = vector.shape_cast %get3A_81 : vector<1x1x512x8xf32> to vector<512x8xf32>
    %mul3A_83 = vector.broadcast %get3A_76 : vector<1x1xf32> to vector<512x8xf32>
    %mul3A_84 = arith.mulf %mul3A_83, %get3A_82 : vector<512x8xf32>
    %get3A_85 = arith.constant 1 : index
    %get3A_86 = arith.constant 0 : index
    %get3A_87 = vector.load %arg8[%get3A_85, %get3A_86] : memref<16x1xf32, #tpu.memory_space<vmem>>, vector<1x1xf32>
    %add3A_88 = vector.broadcast %get3A_87 : vector<1x1xf32> to vector<512x8xf32>
    %add3A_89 = arith.addf %mul3A_84, %add3A_88 : vector<512x8xf32>
    %get3A_90 = arith.constant 1 : index
    %get3A_91 = arith.constant 0 : index
    %get3A_92 = vector.load %arg9[%get3A_90, %get3A_91] : memref<16x1xf32, #tpu.memory_space<vmem>>, vector<1x1xf32>
    %get3A_93 = arith.constant 0 : index
    %get3A_94 = arith.constant 1 : index
    %get3A_95 = arith.constant 0 : index
    %get3A_96 = arith.constant 0 : index
    %get3A_97 = vector.load %arg5[%get3A_93, %get3A_94, %get3A_95, %get3A_96] : memref<1x16x512x8xf32, #tpu.memory_space<vmem>>, vector<1x1x512x8xf32>
    %get3A_98 = vector.shape_cast %get3A_97 : vector<1x1x512x8xf32> to vector<512x8xf32>
    %mul3A_99 = vector.broadcast %get3A_92 : vector<1x1xf32> to vector<512x8xf32>
    %mul3A_100 = arith.mulf %mul3A_99, %get3A_98 : vector<512x8xf32>
    %get3A_101 = arith.constant 1 : index
    %get3A_102 = arith.constant 0 : index
    %get3A_103 = vector.load %arg10[%get3A_101, %get3A_102] : memref<16x1xf32, #tpu.memory_space<vmem>>, vector<1x1xf32>
    %add3A_104 = vector.broadcast %get3A_103 : vector<1x1xf32> to vector<512x8xf32>
    %add3A_105 = arith.addf %mul3A_100, %add3A_104 : vector<512x8xf32>
    %dot_general3A_106 = arith.constant dense<0.000000e+00> : vector<512x128xf32>
    %dot_general3A_107 = tpu.matmul %add3A_89, %get3A_11, %dot_general3A_106 {dimension_numbers = #tpu.dot_dimension_numbers<[1], [0], [0], [1], [0, 0, 1, 1], [], []>, transpose_lhs_hint = false} : vector<512x8xf32>, vector<8x128xf32>, vector<512x128xf32> -> vector<512x128xf32>
    %dot_general3A_108 = arith.constant dense<0.000000e+00> : vector<512x128xf32>
    %dot_general3A_109 = tpu.matmul %add3A_105, %get3A_11, %dot_general3A_108 {dimension_numbers = #tpu.dot_dimension_numbers<[1], [0], [0], [1], [0, 0, 1, 1], [], []>, transpose_lhs_hint = false} : vector<512x8xf32>, vector<8x128xf32>, vector<512x128xf32> -> vector<512x128xf32>
    %get3A_110 = arith.constant 1 : index
    %get3A_111 = arith.constant 0 : index
    %get3A_112 = vector.load %arg11[%get3A_110, %get3A_111] : memref<16x2xf32, #tpu.memory_space<vmem>>, vector<1x1xf32>
    %mul3A_113 = vector.broadcast %get3A_112 : vector<1x1xf32> to vector<512x128xf32>
    %mul3A_114 = arith.mulf %mul3A_113, %get3A_3 : vector<512x128xf32>
    %get3A_115 = arith.constant 1 : index
    %get3A_116 = arith.constant 1 : index
    %get3A_117 = vector.load %arg11[%get3A_115, %get3A_116] : memref<16x2xf32, #tpu.memory_space<vmem>>, vector<1x1xf32>
    %mul3A_118 = vector.broadcast %get3A_117 : vector<1x1xf32> to vector<512x128xf32>
    %mul3A_119 = arith.mulf %mul3A_118, %get3A_8 : vector<512x128xf32>
    %add3A_120 = arith.addf %mul3A_114, %mul3A_119 : vector<512x128xf32>
    %get3A_121 = arith.constant 1 : index
    %get3A_122 = arith.constant 0 : index
    %get3A_123 = vector.load %arg12[%get3A_121, %get3A_122] : memref<16x1xf32, #tpu.memory_space<vmem>>, vector<1x1xf32>
    %add3A_124 = vector.broadcast %get3A_123 : vector<1x1xf32> to vector<512x128xf32>
    %add3A_125 = arith.addf %add3A_120, %add3A_124 : vector<512x128xf32>
    %add3A_126 = arith.addf %dot_general3A_107, %add3A_125 : vector<512x128xf32>
    %max3A_127 = arith.constant 0.000000e+00 : f32
    %max3A_128 = vector.broadcast %max3A_127 : f32 to vector<512x128xf32>
    %max3A_129 = arith.maximumf %add3A_126, %max3A_128 : vector<512x128xf32>
    %add3A_130 = arith.addf %dot_general3A_109, %max3A_129 : vector<512x128xf32>
    %max3A_131 = arith.constant 0.000000e+00 : f32
    %max3A_132 = vector.broadcast %max3A_131 : f32 to vector<512x128xf32>
    %max3A_133 = arith.maximumf %add3A_130, %max3A_132 : vector<512x128xf32>
    %swap3A_134 = arith.constant 0 : index
    %swap3A_135 = arith.constant 1 : index
    %swap3A_136 = arith.constant 0 : index
    %swap3A_137 = arith.constant 0 : index
    %swap3A_138 = vector.load %arg13[%swap3A_134, %swap3A_135, %swap3A_136, %swap3A_137] : memref<1x16x512x128xf32, #tpu.memory_space<vmem>>, vector<1x1x512x128xf32>
    %swap3A_139 = vector.shape_cast %swap3A_138 : vector<1x1x512x128xf32> to vector<512x128xf32>
    %swap3A_140 = vector.shape_cast %max3A_133 : vector<512x128xf32> to vector<1x1x512x128xf32>
    tpu.vector_store %arg13[%swap3A_134, %swap3A_135, %swap3A_136, %swap3A_137], %swap3A_140 {strides = array<i32>} : memref<1x16x512x128xf32, #tpu.memory_space<vmem>>, vector<1x1x512x128xf32>,
    %get3A_141 = arith.constant 2 : index
    %get3A_142 = arith.constant 0 : index
    %get3A_143 = vector.load %arg7[%get3A_141, %get3A_142] : memref<16x1xf32, #tpu.memory_space<vmem>>, vector<1x1xf32>
    %get3A_144 = arith.constant 0 : index
    %get3A_145 = arith.constant 2 : index
    %get3A_146 = arith.constant 0 : index
    %get3A_147 = arith.constant 0 : index
    %get3A_148 = vector.load %arg4[%get3A_144, %get3A_145, %get3A_146, %get3A_147] : memref<1x16x512x8xf32, #tpu.memory_space<vmem>>, vector<1x1x512x8xf32>
    %get3A_149 = vector.shape_cast %get3A_148 : vector<1x1x512x8xf32> to vector<512x8xf32>
    %mul3A_150 = vector.broadcast %get3A_143 : vector<1x1xf32> to vector<512x8xf32>
    %mul3A_151 = arith.mulf %mul3A_150, %get3A_149 : vector<512x8xf32>
    %get3A_152 = arith.constant 2 : index
    %get3A_153 = arith.constant 0 : index
    %get3A_154 = vector.load %arg8[%get3A_152, %get3A_153] : memref<16x1xf32, #tpu.memory_space<vmem>>, vector<1x1xf32>
    %add3A_155 = vector.broadcast %get3A_154 : vector<1x1xf32> to vector<512x8xf32>
    %add3A_156 = arith.addf %mul3A_151, %add3A_155 : vector<512x8xf32>
    %get3A_157 = arith.constant 2 : index
    %get3A_158 = arith.constant 0 : index
    %get3A_159 = vector.load %arg9[%get3A_157, %get3A_158] : memref<16x1xf32, #tpu.memory_space<vmem>>, vector<1x1xf32>
    %get3A_160 = arith.constant 0 : index
    %get3A_161 = arith.constant 2 : index
    %get3A_162 = arith.constant 0 : index
    %get3A_163 = arith.constant 0 : index
    %get3A_164 = vector.load %arg5[%get3A_160, %get3A_161, %get3A_162, %get3A_163] : memref<1x16x512x8xf32, #tpu.memory_space<vmem>>, vector<1x1x512x8xf32>
    %get3A_165 = vector.shape_cast %get3A_164 : vector<1x1x512x8xf32> to vector<512x8xf32>
    %mul3A_166 = vector.broadcast %get3A_159 : vector<1x1xf32> to vector<512x8xf32>
    %mul3A_167 = arith.mulf %mul3A_166, %get3A_165 : vector<512x8xf32>
    %get3A_168 = arith.constant 2 : index
    %get3A_169 = arith.constant 0 : index
    %get3A_170 = vector.load %arg10[%get3A_168, %get3A_169] : memref<16x1xf32, #tpu.memory_space<vmem>>, vector<1x1xf32>
    %add3A_171 = vector.broadcast %get3A_170 : vector<1x1xf32> to vector<512x8xf32>
    %add3A_172 = arith.addf %mul3A_167, %add3A_171 : vector<512x8xf32>
    %dot_general3A_173 = arith.constant dense<0.000000e+00> : vector<512x128xf32>
    %dot_general3A_174 = tpu.matmul %add3A_156, %get3A_11, %dot_general3A_173 {dimension_numbers = #tpu.dot_dimension_numbers<[1], [0], [0], [1], [0, 0, 1, 1], [], []>, transpose_lhs_hint = false} : vector<512x8xf32>, vector<8x128xf32>, vector<512x128xf32> -> vector<512x128xf32>
    %dot_general3A_175 = arith.constant dense<0.000000e+00> : vector<512x128xf32>
    %dot_general3A_176 = tpu.matmul %add3A_172, %get3A_11, %dot_general3A_175 {dimension_numbers = #tpu.dot_dimension_numbers<[1], [0], [0], [1], [0, 0, 1, 1], [], []>, transpose_lhs_hint = false} : vector<512x8xf32>, vector<8x128xf32>, vector<512x128xf32> -> vector<512x128xf32>
    %get3A_177 = arith.constant 2 : index
    %get3A_178 = arith.constant 0 : index
    %get3A_179 = vector.load %arg11[%get3A_177, %get3A_178] : memref<16x2xf32, #tpu.memory_space<vmem>>, vector<1x1xf32>
    %mul3A_180 = vector.broadcast %get3A_179 : vector<1x1xf32> to vector<512x128xf32>
    %mul3A_181 = arith.mulf %mul3A_180, %get3A_3 : vector<512x128xf32>
    %get3A_182 = arith.constant 2 : index
    %get3A_183 = arith.constant 1 : index
    %get3A_184 = vector.load %arg11[%get3A_182, %get3A_183] : memref<16x2xf32, #tpu.memory_space<vmem>>, vector<1x1xf32>
    %mul3A_185 = vector.broadcast %get3A_184 : vector<1x1xf32> to vector<512x128xf32>
    %mul3A_186 = arith.mulf %mul3A_185, %get3A_8 : vector<512x128xf32>
    %add3A_187 = arith.addf %mul3A_181, %mul3A_186 : vector<512x128xf32>
    %get3A_188 = arith.constant 2 : index
    %get3A_189 = arith.constant 0 : index
    %get3A_190 = vector.load %arg12[%get3A_188, %get3A_189] : memref<16x1xf32, #tpu.memory_space<vmem>>, vector<1x1xf32>
    %add3A_191 = vector.broadcast %get3A_190 : vector<1x1xf32> to vector<512x128xf32>
    %add3A_192 = arith.addf %add3A_187, %add3A_191 : vector<512x128xf32>
    %add3A_193 = arith.addf %dot_general3A_174, %add3A_192 : vector<512x128xf32>
    %max3A_194 = arith.constant 0.000000e+00 : f32
    %max3A_195 = vector.broadcast %max3A_194 : f32 to vector<512x128xf32>
    %max3A_196 = arith.maximumf %add3A_193, %max3A_195 : vector<512x128xf32>
    %add3A_197 = arith.addf %dot_general3A_176, %max3A_196 : vector<512x128xf32>
    %max3A_198 = arith.constant 0.000000e+00 : f32
    %max3A_199 = vector.broadcast %max3A_198 : f32 to vector<512x128xf32>
    %max3A_200 = arith.maximumf %add3A_197, %max3A_199 : vector<512x128xf32>
    %swap3A_201 = arith.constant 0 : index
    %swap3A_202 = arith.constant 2 : index
    %swap3A_203 = arith.constant 0 : index
    %swap3A_204 = arith.constant 0 : index
    %swap3A_205 = vector.load %arg13[%swap3A_201, %swap3A_202, %swap3A_203, %swap3A_204] : memref<1x16x512x128xf32, #tpu.memory_space<vmem>>, vector<1x1x512x128xf32>
    %swap3A_206 = vector.shape_cast %swap3A_205 : vector<1x1x512x128xf32> to vector<512x128xf32>
    %swap3A_207 = vector.shape_cast %max3A_200 : vector<512x128xf32> to vector<1x1x512x128xf32>
    tpu.vector_store %arg13[%swap3A_201, %swap3A_202, %swap3A_203, %swap3A_204], %swap3A_207 {strides = array<i32>} : memref<1x16x512x128xf32, #tpu.memory_space<vmem>>, vector<1x1x512x128xf32>,
    %get3A_208 = arith.constant 3 : index
    %get3A_209 = arith.constant 0 : index
    %get3A_210 = vector.load %arg7[%get3A_208, %get3A_209] : memref<16x1xf32, #tpu.memory_space<vmem>>, vector<1x1xf32>
    %get3A_211 = arith.constant 0 : index
    %get3A_212 = arith.constant 3 : index
    %get3A_213 = arith.constant 0 : index
    %get3A_214 = arith.constant 0 : index
    %get3A_215 = vector.load %arg4[%get3A_211, %get3A_212, %get3A_213, %get3A_214] : memref<1x16x512x8xf32, #tpu.memory_space<vmem>>, vector<1x1x512x8xf32>
    %get3A_216 = vector.shape_cast %get3A_215 : vector<1x1x512x8xf32> to vector<512x8xf32>
    %mul3A_217 = vector.broadcast %get3A_210 : vector<1x1xf32> to vector<512x8xf32>
    %mul3A_218 = arith.mulf %mul3A_217, %get3A_216 : vector<512x8xf32>
    %get3A_219 = arith.constant 3 : index
    %get3A_220 = arith.constant 0 : index
    %get3A_221 = vector.load %arg8[%get3A_219, %get3A_220] : memref<16x1xf32, #tpu.memory_space<vmem>>, vector<1x1xf32>
    %add3A_222 = vector.broadcast %get3A_221 : vector<1x1xf32> to vector<512x8xf32>
    %add3A_223 = arith.addf %mul3A_218, %add3A_222 : vector<512x8xf32>
    %get3A_224 = arith.constant 3 : index
    %get3A_225 = arith.constant 0 : index
    %get3A_226 = vector.load %arg9[%get3A_224, %get3A_225] : memref<16x1xf32, #tpu.memory_space<vmem>>, vector<1x1xf32>
    %get3A_227 = arith.constant 0 : index
    %get3A_228 = arith.constant 3 : index
    %get3A_229 = arith.constant 0 : index
    %get3A_230 = arith.constant 0 : index
    %get3A_231 = vector.load %arg5[%get3A_227, %get3A_228, %get3A_229, %get3A_230] : memref<1x16x512x8xf32, #tpu.memory_space<vmem>>, vector<1x1x512x8xf32>
    %get3A_232 = vector.shape_cast %get3A_231 : vector<1x1x512x8xf32> to vector<512x8xf32>
    %mul3A_233 = vector.broadcast %get3A_226 : vector<1x1xf32> to vector<512x8xf32>
    %mul3A_234 = arith.mulf %mul3A_233, %get3A_232 : vector<512x8xf32>
    %get3A_235 = arith.constant 3 : index
    %get3A_236 = arith.constant 0 : index
    %get3A_237 = vector.load %arg10[%get3A_235, %get3A_236] : memref<16x1xf32, #tpu.memory_space<vmem>>, vector<1x1xf32>
    %add3A_238 = vector.broadcast %get3A_237 : vector<1x1xf32> to vector<512x8xf32>
    %add3A_239 = arith.addf %mul3A_234, %add3A_238 : vector<512x8xf32>
    %dot_general3A_240 = arith.constant dense<0.000000e+00> : vector<512x128xf32>
    %dot_general3A_241 = tpu.matmul %add3A_223, %get3A_11, %dot_general3A_240 {dimension_numbers = #tpu.dot_dimension_numbers<[1], [0], [0], [1], [0, 0, 1, 1], [], []>, transpose_lhs_hint = false} : vector<512x8xf32>, vector<8x128xf32>, vector<512x128xf32> -> vector<512x128xf32>
    %dot_general3A_242 = arith.constant dense<0.000000e+00> : vector<512x128xf32>
    %dot_general3A_243 = tpu.matmul %add3A_239, %get3A_11, %dot_general3A_242 {dimension_numbers = #tpu.dot_dimension_numbers<[1], [0], [0], [1], [0, 0, 1, 1], [], []>, transpose_lhs_hint = false} : vector<512x8xf32>, vector<8x128xf32>, vector<512x128xf32> -> vector<512x128xf32>
    %get3A_244 = arith.constant 3 : index
    %get3A_245 = arith.constant 0 : index
    %get3A_246 = vector.load %arg11[%get3A_244, %get3A_245] : memref<16x2xf32, #tpu.memory_space<vmem>>, vector<1x1xf32>
    %mul3A_247 = vector.broadcast %get3A_246 : vector<1x1xf32> to vector<512x128xf32>
    %mul3A_248 = arith.mulf %mul3A_247, %get3A_3 : vector<512x128xf32>
    %get3A_249 = arith.constant 3 : index
    %get3A_250 = arith.constant 1 : index
    %get3A_251 = vector.load %arg11[%get3A_249, %get3A_250] : memref<16x2xf32, #tpu.memory_space<vmem>>, vector<1x1xf32>
    %mul3A_252 = vector.broadcast %get3A_251 : vector<1x1xf32> to vector<512x128xf32>
    %mul3A_253 = arith.mulf %mul3A_252, %get3A_8 : vector<512x128xf32>
    %add3A_254 = arith.addf %mul3A_248, %mul3A_253 : vector<512x128xf32>
    %get3A_255 = arith.constant 3 : index
    %get3A_256 = arith.constant 0 : index
    %get3A_257 = vector.load %arg12[%get3A_255, %get3A_256] : memref<16x1xf32, #tpu.memory_space<vmem>>, vector<1x1xf32>
    %add3A_258 = vector.broadcast %get3A_257 : vector<1x1xf32> to vector<512x128xf32>
    %add3A_259 = arith.addf %add3A_254, %add3A_258 : vector<512x128xf32>
    %add3A_260 = arith.addf %dot_general3A_241, %add3A_259 : vector<512x128xf32>
    %max3A_261 = arith.constant 0.000000e+00 : f32
    %max3A_262 = vector.broadcast %max3A_261 : f32 to vector<512x128xf32>
    %max3A_263 = arith.maximumf %add3A_260, %max3A_262 : vector<512x128xf32>
    %add3A_264 = arith.addf %dot_general3A_243, %max3A_263 : vector<512x128xf32>
    %max3A_265 = arith.constant 0.000000e+00 : f32
    %max3A_266 = vector.broadcast %max3A_265 : f32 to vector<512x128xf32>
    %max3A_267 = arith.maximumf %add3A_264, %max3A_266 : vector<512x128xf32>
    %swap3A_268 = arith.constant 0 : index
    %swap3A_269 = arith.constant 3 : index
    %swap3A_270 = arith.constant 0 : index
    %swap3A_271 = arith.constant 0 : index
    %swap3A_272 = vector.load %arg13[%swap3A_268, %swap3A_269, %swap3A_270, %swap3A_271] : memref<1x16x512x128xf32, #tpu.memory_space<vmem>>, vector<1x1x512x128xf32>
    %swap3A_273 = vector.shape_cast %swap3A_272 : vector<1x1x512x128xf32> to vector<512x128xf32>
    %swap3A_274 = vector.shape_cast %max3A_267 : vector<512x128xf32> to vector<1x1x512x128xf32>
    tpu.vector_store %arg13[%swap3A_268, %swap3A_269, %swap3A_270, %swap3A_271], %swap3A_274 {strides = array<i32>} : memref<1x16x512x128xf32, #tpu.memory_space<vmem>>, vector<1x1x512x128xf32>,
    %get3A_275 = arith.constant 4 : index
    %get3A_276 = arith.constant 0 : index
    %get3A_277 = vector.load %arg7[%get3A_275, %get3A_276] : memref<16x1xf32, #tpu.memory_space<vmem>>, vector<1x1xf32>
    %get3A_278 = arith.constant 0 : index
    %get3A_279 = arith.constant 4 : index
    %get3A_280 = arith.constant 0 : index
    %get3A_281 = arith.constant 0 : index
    %get3A_282 = vector.load %arg4[%get3A_278, %get3A_279, %get3A_280, %get3A_281] : memref<1x16x512x8xf32, #tpu.memory_space<vmem>>, vector<1x1x512x8xf32>
    %get3A_283 = vector.shape_cast %get3A_282 : vector<1x1x512x8xf32> to vector<512x8xf32>
    %mul3A_284 = vector.broadcast %get3A_277 : vector<1x1xf32> to vector<512x8xf32>
    %mul3A_285 = arith.mulf %mul3A_284, %get3A_283 : vector<512x8xf32>
    %get3A_286 = arith.constant 4 : index
    %get3A_287 = arith.constant 0 : index
    %get3A_288 = vector.load %arg8[%get3A_286, %get3A_287] : memref<16x1xf32, #tpu.memory_space<vmem>>, vector<1x1xf32>
    %add3A_289 = vector.broadcast %get3A_288 : vector<1x1xf32> to vector<512x8xf32>
    %add3A_290 = arith.addf %mul3A_285, %add3A_289 : vector<512x8xf32>
    %get3A_291 = arith.constant 4 : index
    %get3A_292 = arith.constant 0 : index
    %get3A_293 = vector.load %arg9[%get3A_291, %get3A_292] : memref<16x1xf32, #tpu.memory_space<vmem>>, vector<1x1xf32>
    %get3A_294 = arith.constant 0 : index
    %get3A_295 = arith.constant 4 : index
    %get3A_296 = arith.constant 0 : index
    %get3A_297 = arith.constant 0 : index
    %get3A_298 = vector.load %arg5[%get3A_294, %get3A_295, %get3A_296, %get3A_297] : memref<1x16x512x8xf32, #tpu.memory_space<vmem>>, vector<1x1x512x8xf32>
    %get3A_299 = vector.shape_cast %get3A_298 : vector<1x1x512x8xf32> to vector<512x8xf32>
    %mul3A_300 = vector.broadcast %get3A_293 : vector<1x1xf32> to vector<512x8xf32>
    %mul3A_301 = arith.mulf %mul3A_300, %get3A_299 : vector<512x8xf32>
    %get3A_302 = arith.constant 4 : index
    %get3A_303 = arith.constant 0 : index
    %get3A_304 = vector.load %arg10[%get3A_302, %get3A_303] : memref<16x1xf32, #tpu.memory_space<vmem>>, vector<1x1xf32>
    %add3A_305 = vector.broadcast %get3A_304 : vector<1x1xf32> to vector<512x8xf32>
    %add3A_306 = arith.addf %mul3A_301, %add3A_305 : vector<512x8xf32>
    %dot_general3A_307 = arith.constant dense<0.000000e+00> : vector<512x128xf32>
    %dot_general3A_308 = tpu.matmul %add3A_290, %get3A_11, %dot_general3A_307 {dimension_numbers = #tpu.dot_dimension_numbers<[1], [0], [0], [1], [0, 0, 1, 1], [], []>, transpose_lhs_hint = false} : vector<512x8xf32>, vector<8x128xf32>, vector<512x128xf32> -> vector<512x128xf32>
    %dot_general3A_309 = arith.constant dense<0.000000e+00> : vector<512x128xf32>
    %dot_general3A_310 = tpu.matmul %add3A_306, %get3A_11, %dot_general3A_309 {dimension_numbers = #tpu.dot_dimension_numbers<[1], [0], [0], [1], [0, 0, 1, 1], [], []>, transpose_lhs_hint = false} : vector<512x8xf32>, vector<8x128xf32>, vector<512x128xf32> -> vector<512x128xf32>
    %get3A_311 = arith.constant 4 : index
    %get3A_312 = arith.constant 0 : index
    %get3A_313 = vector.load %arg11[%get3A_311, %get3A_312] : memref<16x2xf32, #tpu.memory_space<vmem>>, vector<1x1xf32>
    %mul3A_314 = vector.broadcast %get3A_313 : vector<1x1xf32> to vector<512x128xf32>
    %mul3A_315 = arith.mulf %mul3A_314, %get3A_3 : vector<512x128xf32>
    %get3A_316 = arith.constant 4 : index
    %get3A_317 = arith.constant 1 : index
    %get3A_318 = vector.load %arg11[%get3A_316, %get3A_317] : memref<16x2xf32, #tpu.memory_space<vmem>>, vector<1x1xf32>
    %mul3A_319 = vector.broadcast %get3A_318 : vector<1x1xf32> to vector<512x128xf32>
    %mul3A_320 = arith.mulf %mul3A_319, %get3A_8 : vector<512x128xf32>
    %add3A_321 = arith.addf %mul3A_315, %mul3A_320 : vector<512x128xf32>
    %get3A_322 = arith.constant 4 : index
    %get3A_323 = arith.constant 0 : index
    %get3A_324 = vector.load %arg12[%get3A_322, %get3A_323] : memref<16x1xf32, #tpu.memory_space<vmem>>, vector<1x1xf32>
    %add3A_325 = vector.broadcast %get3A_324 : vector<1x1xf32> to vector<512x128xf32>
    %add3A_326 = arith.addf %add3A_321, %add3A_325 : vector<512x128xf32>
    %add3A_327 = arith.addf %dot_general3A_308, %add3A_326 : vector<512x128xf32>
    %max3A_328 = arith.constant 0.000000e+00 : f32
    %max3A_329 = vector.broadcast %max3A_328 : f32 to vector<512x128xf32>
    %max3A_330 = arith.maximumf %add3A_327, %max3A_329 : vector<512x128xf32>
    %add3A_331 = arith.addf %dot_general3A_310, %max3A_330 : vector<512x128xf32>
    %max3A_332 = arith.constant 0.000000e+00 : f32
    %max3A_333 = vector.broadcast %max3A_332 : f32 to vector<512x128xf32>
    %max3A_334 = arith.maximumf %add3A_331, %max3A_333 : vector<512x128xf32>
    %swap3A_335 = arith.constant 0 : index
    %swap3A_336 = arith.constant 4 : index
    %swap3A_337 = arith.constant 0 : index
    %swap3A_338 = arith.constant 0 : index
    %swap3A_339 = vector.load %arg13[%swap3A_335, %swap3A_336, %swap3A_337, %swap3A_338] : memref<1x16x512x128xf32, #tpu.memory_space<vmem>>, vector<1x1x512x128xf32>
    %swap3A_340 = vector.shape_cast %swap3A_339 : vector<1x1x512x128xf32> to vector<512x128xf32>
    %swap3A_341 = vector.shape_cast %max3A_334 : vector<512x128xf32> to vector<1x1x512x128xf32>
    tpu.vector_store %arg13[%swap3A_335, %swap3A_336, %swap3A_337, %swap3A_338], %swap3A_341 {strides = array<i32>} : memref<1x16x512x128xf32, #tpu.memory_space<vmem>>, vector<1x1x512x128xf32>,
    %get3A_342 = arith.constant 5 : index
    %get3A_343 = arith.constant 0 : index
    %get3A_344 = vector.load %arg7[%get3A_342, %get3A_343] : memref<16x1xf32, #tpu.memory_space<vmem>>, vector<1x1xf32>
    %get3A_345 = arith.constant 0 : index
    %get3A_346 = arith.constant 5 : index
    %get3A_347 = arith.constant 0 : index
    %get3A_348 = arith.constant 0 : index
    %get3A_349 = vector.load %arg4[%get3A_345, %get3A_346, %get3A_347, %get3A_348] : memref<1x16x512x8xf32, #tpu.memory_space<vmem>>, vector<1x1x512x8xf32>
    %get3A_350 = vector.shape_cast %get3A_349 : vector<1x1x512x8xf32> to vector<512x8xf32>
    %mul3A_351 = vector.broadcast %get3A_344 : vector<1x1xf32> to vector<512x8xf32>
    %mul3A_352 = arith.mulf %mul3A_351, %get3A_350 : vector<512x8xf32>
    %get3A_353 = arith.constant 5 : index
    %get3A_354 = arith.constant 0 : index
    %get3A_355 = vector.load %arg8[%get3A_353, %get3A_354] : memref<16x1xf32, #tpu.memory_space<vmem>>, vector<1x1xf32>
    %add3A_356 = vector.broadcast %get3A_355 : vector<1x1xf32> to vector<512x8xf32>
    %add3A_357 = arith.addf %mul3A_352, %add3A_356 : vector<512x8xf32>
    %get3A_358 = arith.constant 5 : index
    %get3A_359 = arith.constant 0 : index
    %get3A_360 = vector.load %arg9[%get3A_358, %get3A_359] : memref<16x1xf32, #tpu.memory_space<vmem>>, vector<1x1xf32>
    %get3A_361 = arith.constant 0 : index
    %get3A_362 = arith.constant 5 : index
    %get3A_363 = arith.constant 0 : index
    %get3A_364 = arith.constant 0 : index
    %get3A_365 = vector.load %arg5[%get3A_361, %get3A_362, %get3A_363, %get3A_364] : memref<1x16x512x8xf32, #tpu.memory_space<vmem>>, vector<1x1x512x8xf32>
    %get3A_366 = vector.shape_cast %get3A_365 : vector<1x1x512x8xf32> to vector<512x8xf32>
    %mul3A_367 = vector.broadcast %get3A_360 : vector<1x1xf32> to vector<512x8xf32>
    %mul3A_368 = arith.mulf %mul3A_367, %get3A_366 : vector<512x8xf32>
    %get3A_369 = arith.constant 5 : index
    %get3A_370 = arith.constant 0 : index
    %get3A_371 = vector.load %arg10[%get3A_369, %get3A_370] : memref<16x1xf32, #tpu.memory_space<vmem>>, vector<1x1xf32>
    %add3A_372 = vector.broadcast %get3A_371 : vector<1x1xf32> to vector<512x8xf32>
    %add3A_373 = arith.addf %mul3A_368, %add3A_372 : vector<512x8xf32>
    %dot_general3A_374 = arith.constant dense<0.000000e+00> : vector<512x128xf32>
    %dot_general3A_375 = tpu.matmul %add3A_357, %get3A_11, %dot_general3A_374 {dimension_numbers = #tpu.dot_dimension_numbers<[1], [0], [0], [1], [0, 0, 1, 1], [], []>, transpose_lhs_hint = false} : vector<512x8xf32>, vector<8x128xf32>, vector<512x128xf32> -> vector<512x128xf32>
    %dot_general3A_376 = arith.constant dense<0.000000e+00> : vector<512x128xf32>
    %dot_general3A_377 = tpu.matmul %add3A_373, %get3A_11, %dot_general3A_376 {dimension_numbers = #tpu.dot_dimension_numbers<[1], [0], [0], [1], [0, 0, 1, 1], [], []>, transpose_lhs_hint = false} : vector<512x8xf32>, vector<8x128xf32>, vector<512x128xf32> -> vector<512x128xf32>
    %get3A_378 = arith.constant 5 : index
    %get3A_379 = arith.constant 0 : index
    %get3A_380 = vector.load %arg11[%get3A_378, %get3A_379] : memref<16x2xf32, #tpu.memory_space<vmem>>, vector<1x1xf32>
    %mul3A_381 = vector.broadcast %get3A_380 : vector<1x1xf32> to vector<512x128xf32>
    %mul3A_382 = arith.mulf %mul3A_381, %get3A_3 : vector<512x128xf32>
    %get3A_383 = arith.constant 5 : index
    %get3A_384 = arith.constant 1 : index
    %get3A_385 = vector.load %arg11[%get3A_383, %get3A_384] : memref<16x2xf32, #tpu.memory_space<vmem>>, vector<1x1xf32>
    %mul3A_386 = vector.broadcast %get3A_385 : vector<1x1xf32> to vector<512x128xf32>
    %mul3A_387 = arith.mulf %mul3A_386, %get3A_8 : vector<512x128xf32>
    %add3A_388 = arith.addf %mul3A_382, %mul3A_387 : vector<512x128xf32>
    %get3A_389 = arith.constant 5 : index
    %get3A_390 = arith.constant 0 : index
    %get3A_391 = vector.load %arg12[%get3A_389, %get3A_390] : memref<16x1xf32, #tpu.memory_space<vmem>>, vector<1x1xf32>
    %add3A_392 = vector.broadcast %get3A_391 : vector<1x1xf32> to vector<512x128xf32>
    %add3A_393 = arith.addf %add3A_388, %add3A_392 : vector<512x128xf32>
    %add3A_394 = arith.addf %dot_general3A_375, %add3A_393 : vector<512x128xf32>
    %max3A_395 = arith.constant 0.000000e+00 : f32
    %max3A_396 = vector.broadcast %max3A_395 : f32 to vector<512x128xf32>
    %max3A_397 = arith.maximumf %add3A_394, %max3A_396 : vector<512x128xf32>
    %add3A_398 = arith.addf %dot_general3A_377, %max3A_397 : vector<512x128xf32>
    %max3A_399 = arith.constant 0.000000e+00 : f32
    %max3A_400 = vector.broadcast %max3A_399 : f32 to vector<512x128xf32>
    %max3A_401 = arith.maximumf %add3A_398, %max3A_400 : vector<512x128xf32>
    %swap3A_402 = arith.constant 0 : index
    %swap3A_403 = arith.constant 5 : index
    %swap3A_404 = arith.constant 0 : index
    %swap3A_405 = arith.constant 0 : index
    %swap3A_406 = vector.load %arg13[%swap3A_402, %swap3A_403, %swap3A_404, %swap3A_405] : memref<1x16x512x128xf32, #tpu.memory_space<vmem>>, vector<1x1x512x128xf32>
    %swap3A_407 = vector.shape_cast %swap3A_406 : vector<1x1x512x128xf32> to vector<512x128xf32>
    %swap3A_408 = vector.shape_cast %max3A_401 : vector<512x128xf32> to vector<1x1x512x128xf32>
    tpu.vector_store %arg13[%swap3A_402, %swap3A_403, %swap3A_404, %swap3A_405], %swap3A_408 {strides = array<i32>} : memref<1x16x512x128xf32, #tpu.memory_space<vmem>>, vector<1x1x512x128xf32>,
    %get3A_409 = arith.constant 6 : index
    %get3A_410 = arith.constant 0 : index
    %get3A_411 = vector.load %arg7[%get3A_409, %get3A_410] : memref<16x1xf32, #tpu.memory_space<vmem>>, vector<1x1xf32>
    %get3A_412 = arith.constant 0 : index
    %get3A_413 = arith.constant 6 : index
    %get3A_414 = arith.constant 0 : index
    %get3A_415 = arith.constant 0 : index
    %get3A_416 = vector.load %arg4[%get3A_412, %get3A_413, %get3A_414, %get3A_415] : memref<1x16x512x8xf32, #tpu.memory_space<vmem>>, vector<1x1x512x8xf32>
    %get3A_417 = vector.shape_cast %get3A_416 : vector<1x1x512x8xf32> to vector<512x8xf32>
    %mul3A_418 = vector.broadcast %get3A_411 : vector<1x1xf32> to vector<512x8xf32>
    %mul3A_419 = arith.mulf %mul3A_418, %get3A_417 : vector<512x8xf32>
    %get3A_420 = arith.constant 6 : index
    %get3A_421 = arith.constant 0 : index
    %get3A_422 = vector.load %arg8[%get3A_420, %get3A_421] : memref<16x1xf32, #tpu.memory_space<vmem>>, vector<1x1xf32>
    %add3A_423 = vector.broadcast %get3A_422 : vector<1x1xf32> to vector<512x8xf32>
    %add3A_424 = arith.addf %mul3A_419, %add3A_423 : vector<512x8xf32>
    %get3A_425 = arith.constant 6 : index
    %get3A_426 = arith.constant 0 : index
    %get3A_427 = vector.load %arg9[%get3A_425, %get3A_426] : memref<16x1xf32, #tpu.memory_space<vmem>>, vector<1x1xf32>
    %get3A_428 = arith.constant 0 : index
    %get3A_429 = arith.constant 6 : index
    %get3A_430 = arith.constant 0 : index
    %get3A_431 = arith.constant 0 : index
    %get3A_432 = vector.load %arg5[%get3A_428, %get3A_429, %get3A_430, %get3A_431] : memref<1x16x512x8xf32, #tpu.memory_space<vmem>>, vector<1x1x512x8xf32>
    %get3A_433 = vector.shape_cast %get3A_432 : vector<1x1x512x8xf32> to vector<512x8xf32>
    %mul3A_434 = vector.broadcast %get3A_427 : vector<1x1xf32> to vector<512x8xf32>
    %mul3A_435 = arith.mulf %mul3A_434, %get3A_433 : vector<512x8xf32>
    %get3A_436 = arith.constant 6 : index
    %get3A_437 = arith.constant 0 : index
    %get3A_438 = vector.load %arg10[%get3A_436, %get3A_437] : memref<16x1xf32, #tpu.memory_space<vmem>>, vector<1x1xf32>
    %add3A_439 = vector.broadcast %get3A_438 : vector<1x1xf32> to vector<512x8xf32>
    %add3A_440 = arith.addf %mul3A_435, %add3A_439 : vector<512x8xf32>
    %dot_general3A_441 = arith.constant dense<0.000000e+00> : vector<512x128xf32>
    %dot_general3A_442 = tpu.matmul %add3A_424, %get3A_11, %dot_general3A_441 {dimension_numbers = #tpu.dot_dimension_numbers<[1], [0], [0], [1], [0, 0, 1, 1], [], []>, transpose_lhs_hint = false} : vector<512x8xf32>, vector<8x128xf32>, vector<512x128xf32> -> vector<512x128xf32>
    %dot_general3A_443 = arith.constant dense<0.000000e+00> : vector<512x128xf32>
    %dot_general3A_444 = tpu.matmul %add3A_440, %get3A_11, %dot_general3A_443 {dimension_numbers = #tpu.dot_dimension_numbers<[1], [0], [0], [1], [0, 0, 1, 1], [], []>, transpose_lhs_hint = false} : vector<512x8xf32>, vector<8x128xf32>, vector<512x128xf32> -> vector<512x128xf32>
    %get3A_445 = arith.constant 6 : index
    %get3A_446 = arith.constant 0 : index
    %get3A_447 = vector.load %arg11[%get3A_445, %get3A_446] : memref<16x2xf32, #tpu.memory_space<vmem>>, vector<1x1xf32>
    %mul3A_448 = vector.broadcast %get3A_447 : vector<1x1xf32> to vector<512x128xf32>
    %mul3A_449 = arith.mulf %mul3A_448, %get3A_3 : vector<512x128xf32>
    %get3A_450 = arith.constant 6 : index
    %get3A_451 = arith.constant 1 : index
    %get3A_452 = vector.load %arg11[%get3A_450, %get3A_451] : memref<16x2xf32, #tpu.memory_space<vmem>>, vector<1x1xf32>
    %mul3A_453 = vector.broadcast %get3A_452 : vector<1x1xf32> to vector<512x128xf32>
    %mul3A_454 = arith.mulf %mul3A_453, %get3A_8 : vector<512x128xf32>
    %add3A_455 = arith.addf %mul3A_449, %mul3A_454 : vector<512x128xf32>
    %get3A_456 = arith.constant 6 : index
    %get3A_457 = arith.constant 0 : index
    %get3A_458 = vector.load %arg12[%get3A_456, %get3A_457] : memref<16x1xf32, #tpu.memory_space<vmem>>, vector<1x1xf32>
    %add3A_459 = vector.broadcast %get3A_458 : vector<1x1xf32> to vector<512x128xf32>
    %add3A_460 = arith.addf %add3A_455, %add3A_459 : vector<512x128xf32>
    %add3A_461 = arith.addf %dot_general3A_442, %add3A_460 : vector<512x128xf32>
    %max3A_462 = arith.constant 0.000000e+00 : f32
    %max3A_463 = vector.broadcast %max3A_462 : f32 to vector<512x128xf32>
    %max3A_464 = arith.maximumf %add3A_461, %max3A_463 : vector<512x128xf32>
    %add3A_465 = arith.addf %dot_general3A_444, %max3A_464 : vector<512x128xf32>
    %max3A_466 = arith.constant 0.000000e+00 : f32
    %max3A_467 = vector.broadcast %max3A_466 : f32 to vector<512x128xf32>
    %max3A_468 = arith.maximumf %add3A_465, %max3A_467 : vector<512x128xf32>
    %swap3A_469 = arith.constant 0 : index
    %swap3A_470 = arith.constant 6 : index
    %swap3A_471 = arith.constant 0 : index
    %swap3A_472 = arith.constant 0 : index
    %swap3A_473 = vector.load %arg13[%swap3A_469, %swap3A_470, %swap3A_471, %swap3A_472] : memref<1x16x512x128xf32, #tpu.memory_space<vmem>>, vector<1x1x512x128xf32>
    %swap3A_474 = vector.shape_cast %swap3A_473 : vector<1x1x512x128xf32> to vector<512x128xf32>
    %swap3A_475 = vector.shape_cast %max3A_468 : vector<512x128xf32> to vector<1x1x512x128xf32>
    tpu.vector_store %arg13[%swap3A_469, %swap3A_470, %swap3A_471, %swap3A_472], %swap3A_475 {strides = array<i32>} : memref<1x16x512x128xf32, #tpu.memory_space<vmem>>, vector<1x1x512x128xf32>,
    %get3A_476 = arith.constant 7 : index
    %get3A_477 = arith.constant 0 : index
    %get3A_478 = vector.load %arg7[%get3A_476, %get3A_477] : memref<16x1xf32, #tpu.memory_space<vmem>>, vector<1x1xf32>
    %get3A_479 = arith.constant 0 : index
    %get3A_480 = arith.constant 7 : index
    %get3A_481 = arith.constant 0 : index
    %get3A_482 = arith.constant 0 : index
    %get3A_483 = vector.load %arg4[%get3A_479, %get3A_480, %get3A_481, %get3A_482] : memref<1x16x512x8xf32, #tpu.memory_space<vmem>>, vector<1x1x512x8xf32>
    %get3A_484 = vector.shape_cast %get3A_483 : vector<1x1x512x8xf32> to vector<512x8xf32>
    %mul3A_485 = vector.broadcast %get3A_478 : vector<1x1xf32> to vector<512x8xf32>
    %mul3A_486 = arith.mulf %mul3A_485, %get3A_484 : vector<512x8xf32>
    %get3A_487 = arith.constant 7 : index
    %get3A_488 = arith.constant 0 : index
    %get3A_489 = vector.load %arg8[%get3A_487, %get3A_488] : memref<16x1xf32, #tpu.memory_space<vmem>>, vector<1x1xf32>
    %add3A_490 = vector.broadcast %get3A_489 : vector<1x1xf32> to vector<512x8xf32>
    %add3A_491 = arith.addf %mul3A_486, %add3A_490 : vector<512x8xf32>
    %get3A_492 = arith.constant 7 : index
    %get3A_493 = arith.constant 0 : index
    %get3A_494 = vector.load %arg9[%get3A_492, %get3A_493] : memref<16x1xf32, #tpu.memory_space<vmem>>, vector<1x1xf32>
    %get3A_495 = arith.constant 0 : index
    %get3A_496 = arith.constant 7 : index
    %get3A_497 = arith.constant 0 : index
    %get3A_498 = arith.constant 0 : index
    %get3A_499 = vector.load %arg5[%get3A_495, %get3A_496, %get3A_497, %get3A_498] : memref<1x16x512x8xf32, #tpu.memory_space<vmem>>, vector<1x1x512x8xf32>
    %get3A_500 = vector.shape_cast %get3A_499 : vector<1x1x512x8xf32> to vector<512x8xf32>
    %mul3A_501 = vector.broadcast %get3A_494 : vector<1x1xf32> to vector<512x8xf32>
    %mul3A_502 = arith.mulf %mul3A_501, %get3A_500 : vector<512x8xf32>
    %get3A_503 = arith.constant 7 : index
    %get3A_504 = arith.constant 0 : index
    %get3A_505 = vector.load %arg10[%get3A_503, %get3A_504] : memref<16x1xf32, #tpu.memory_space<vmem>>, vector<1x1xf32>
    %add3A_506 = vector.broadcast %get3A_505 : vector<1x1xf32> to vector<512x8xf32>
    %add3A_507 = arith.addf %mul3A_502, %add3A_506 : vector<512x8xf32>
    %dot_general3A_508 = arith.constant dense<0.000000e+00> : vector<512x128xf32>
    %dot_general3A_509 = tpu.matmul %add3A_491, %get3A_11, %dot_general3A_508 {dimension_numbers = #tpu.dot_dimension_numbers<[1], [0], [0], [1], [0, 0, 1, 1], [], []>, transpose_lhs_hint = false} : vector<512x8xf32>, vector<8x128xf32>, vector<512x128xf32> -> vector<512x128xf32>
    %dot_general3A_510 = arith.constant dense<0.000000e+00> : vector<512x128xf32>
    %dot_general3A_511 = tpu.matmul %add3A_507, %get3A_11, %dot_general3A_510 {dimension_numbers = #tpu.dot_dimension_numbers<[1], [0], [0], [1], [0, 0, 1, 1], [], []>, transpose_lhs_hint = false} : vector<512x8xf32>, vector<8x128xf32>, vector<512x128xf32> -> vector<512x128xf32>
    %get3A_512 = arith.constant 7 : index
    %get3A_513 = arith.constant 0 : index
    %get3A_514 = vector.load %arg11[%get3A_512, %get3A_513] : memref<16x2xf32, #tpu.memory_space<vmem>>, vector<1x1xf32>
    %mul3A_515 = vector.broadcast %get3A_514 : vector<1x1xf32> to vector<512x128xf32>
    %mul3A_516 = arith.mulf %mul3A_515, %get3A_3 : vector<512x128xf32>
    %get3A_517 = arith.constant 7 : index
    %get3A_518 = arith.constant 1 : index
    %get3A_519 = vector.load %arg11[%get3A_517, %get3A_518] : memref<16x2xf32, #tpu.memory_space<vmem>>, vector<1x1xf32>
    %mul3A_520 = vector.broadcast %get3A_519 : vector<1x1xf32> to vector<512x128xf32>
    %mul3A_521 = arith.mulf %mul3A_520, %get3A_8 : vector<512x128xf32>
    %add3A_522 = arith.addf %mul3A_516, %mul3A_521 : vector<512x128xf32>
    %get3A_523 = arith.constant 7 : index
    %get3A_524 = arith.constant 0 : index
    %get3A_525 = vector.load %arg12[%get3A_523, %get3A_524] : memref<16x1xf32, #tpu.memory_space<vmem>>, vector<1x1xf32>
    %add3A_526 = vector.broadcast %get3A_525 : vector<1x1xf32> to vector<512x128xf32>
    %add3A_527 = arith.addf %add3A_522, %add3A_526 : vector<512x128xf32>
    %add3A_528 = arith.addf %dot_general3A_509, %add3A_527 : vector<512x128xf32>
    %max3A_529 = arith.constant 0.000000e+00 : f32
    %max3A_530 = vector.broadcast %max3A_529 : f32 to vector<512x128xf32>
    %max3A_531 = arith.maximumf %add3A_528, %max3A_530 : vector<512x128xf32>
    %add3A_532 = arith.addf %dot_general3A_511, %max3A_531 : vector<512x128xf32>
    %max3A_533 = arith.constant 0.000000e+00 : f32
    %max3A_534 = vector.broadcast %max3A_533 : f32 to vector<512x128xf32>
    %max3A_535 = arith.maximumf %add3A_532, %max3A_534 : vector<512x128xf32>
    %swap3A_536 = arith.constant 0 : index
    %swap3A_537 = arith.constant 7 : index
    %swap3A_538 = arith.constant 0 : index
    %swap3A_539 = arith.constant 0 : index
    %swap3A_540 = vector.load %arg13[%swap3A_536, %swap3A_537, %swap3A_538, %swap3A_539] : memref<1x16x512x128xf32, #tpu.memory_space<vmem>>, vector<1x1x512x128xf32>
    %swap3A_541 = vector.shape_cast %swap3A_540 : vector<1x1x512x128xf32> to vector<512x128xf32>
    %swap3A_542 = vector.shape_cast %max3A_535 : vector<512x128xf32> to vector<1x1x512x128xf32>
    tpu.vector_store %arg13[%swap3A_536, %swap3A_537, %swap3A_538, %swap3A_539], %swap3A_542 {strides = array<i32>} : memref<1x16x512x128xf32, #tpu.memory_space<vmem>>, vector<1x1x512x128xf32>,
    %get3A_543 = arith.constant 8 : index
    %get3A_544 = arith.constant 0 : index
    %get3A_545 = vector.load %arg7[%get3A_543, %get3A_544] : memref<16x1xf32, #tpu.memory_space<vmem>>, vector<1x1xf32>
    %get3A_546 = arith.constant 0 : index
    %get3A_547 = arith.constant 8 : index
    %get3A_548 = arith.constant 0 : index
    %get3A_549 = arith.constant 0 : index
    %get3A_550 = vector.load %arg4[%get3A_546, %get3A_547, %get3A_548, %get3A_549] : memref<1x16x512x8xf32, #tpu.memory_space<vmem>>, vector<1x1x512x8xf32>
    %get3A_551 = vector.shape_cast %get3A_550 : vector<1x1x512x8xf32> to vector<512x8xf32>
    %mul3A_552 = vector.broadcast %get3A_545 : vector<1x1xf32> to vector<512x8xf32>
    %mul3A_553 = arith.mulf %mul3A_552, %get3A_551 : vector<512x8xf32>
    %get3A_554 = arith.constant 8 : index
    %get3A_555 = arith.constant 0 : index
    %get3A_556 = vector.load %arg8[%get3A_554, %get3A_555] : memref<16x1xf32, #tpu.memory_space<vmem>>, vector<1x1xf32>
    %add3A_557 = vector.broadcast %get3A_556 : vector<1x1xf32> to vector<512x8xf32>
    %add3A_558 = arith.addf %mul3A_553, %add3A_557 : vector<512x8xf32>
    %get3A_559 = arith.constant 8 : index
    %get3A_560 = arith.constant 0 : index
    %get3A_561 = vector.load %arg9[%get3A_559, %get3A_560] : memref<16x1xf32, #tpu.memory_space<vmem>>, vector<1x1xf32>
    %get3A_562 = arith.constant 0 : index
    %get3A_563 = arith.constant 8 : index
    %get3A_564 = arith.constant 0 : index
    %get3A_565 = arith.constant 0 : index
    %get3A_566 = vector.load %arg5[%get3A_562, %get3A_563, %get3A_564, %get3A_565] : memref<1x16x512x8xf32, #tpu.memory_space<vmem>>, vector<1x1x512x8xf32>
    %get3A_567 = vector.shape_cast %get3A_566 : vector<1x1x512x8xf32> to vector<512x8xf32>
    %mul3A_568 = vector.broadcast %get3A_561 : vector<1x1xf32> to vector<512x8xf32>
    %mul3A_569 = arith.mulf %mul3A_568, %get3A_567 : vector<512x8xf32>
    %get3A_570 = arith.constant 8 : index
    %get3A_571 = arith.constant 0 : index
    %get3A_572 = vector.load %arg10[%get3A_570, %get3A_571] : memref<16x1xf32, #tpu.memory_space<vmem>>, vector<1x1xf32>
    %add3A_573 = vector.broadcast %get3A_572 : vector<1x1xf32> to vector<512x8xf32>
    %add3A_574 = arith.addf %mul3A_569, %add3A_573 : vector<512x8xf32>
    %dot_general3A_575 = arith.constant dense<0.000000e+00> : vector<512x128xf32>
    %dot_general3A_576 = tpu.matmul %add3A_558, %get3A_11, %dot_general3A_575 {dimension_numbers = #tpu.dot_dimension_numbers<[1], [0], [0], [1], [0, 0, 1, 1], [], []>, transpose_lhs_hint = false} : vector<512x8xf32>, vector<8x128xf32>, vector<512x128xf32> -> vector<512x128xf32>
    %dot_general3A_577 = arith.constant dense<0.000000e+00> : vector<512x128xf32>
    %dot_general3A_578 = tpu.matmul %add3A_574, %get3A_11, %dot_general3A_577 {dimension_numbers = #tpu.dot_dimension_numbers<[1], [0], [0], [1], [0, 0, 1, 1], [], []>, transpose_lhs_hint = false} : vector<512x8xf32>, vector<8x128xf32>, vector<512x128xf32> -> vector<512x128xf32>
    %get3A_579 = arith.constant 8 : index
    %get3A_580 = arith.constant 0 : index
    %get3A_581 = vector.load %arg11[%get3A_579, %get3A_580] : memref<16x2xf32, #tpu.memory_space<vmem>>, vector<1x1xf32>
    %mul3A_582 = vector.broadcast %get3A_581 : vector<1x1xf32> to vector<512x128xf32>
    %mul3A_583 = arith.mulf %mul3A_582, %get3A_3 : vector<512x128xf32>
    %get3A_584 = arith.constant 8 : index
    %get3A_585 = arith.constant 1 : index
    %get3A_586 = vector.load %arg11[%get3A_584, %get3A_585] : memref<16x2xf32, #tpu.memory_space<vmem>>, vector<1x1xf32>
    %mul3A_587 = vector.broadcast %get3A_586 : vector<1x1xf32> to vector<512x128xf32>
    %mul3A_588 = arith.mulf %mul3A_587, %get3A_8 : vector<512x128xf32>
    %add3A_589 = arith.addf %mul3A_583, %mul3A_588 : vector<512x128xf32>
    %get3A_590 = arith.constant 8 : index
    %get3A_591 = arith.constant 0 : index
    %get3A_592 = vector.load %arg12[%get3A_590, %get3A_591] : memref<16x1xf32, #tpu.memory_space<vmem>>, vector<1x1xf32>
    %add3A_593 = vector.broadcast %get3A_592 : vector<1x1xf32> to vector<512x128xf32>
    %add3A_594 = arith.addf %add3A_589, %add3A_593 : vector<512x128xf32>
    %add3A_595 = arith.addf %dot_general3A_576, %add3A_594 : vector<512x128xf32>
    %max3A_596 = arith.constant 0.000000e+00 : f32
    %max3A_597 = vector.broadcast %max3A_596 : f32 to vector<512x128xf32>
    %max3A_598 = arith.maximumf %add3A_595, %max3A_597 : vector<512x128xf32>
    %add3A_599 = arith.addf %dot_general3A_578, %max3A_598 : vector<512x128xf32>
    %max3A_600 = arith.constant 0.000000e+00 : f32
    %max3A_601 = vector.broadcast %max3A_600 : f32 to vector<512x128xf32>
    %max3A_602 = arith.maximumf %add3A_599, %max3A_601 : vector<512x128xf32>
    %swap3A_603 = arith.constant 0 : index
    %swap3A_604 = arith.constant 8 : index
    %swap3A_605 = arith.constant 0 : index
    %swap3A_606 = arith.constant 0 : index
    %swap3A_607 = vector.load %arg13[%swap3A_603, %swap3A_604, %swap3A_605, %swap3A_606] : memref<1x16x512x128xf32, #tpu.memory_space<vmem>>, vector<1x1x512x128xf32>
    %swap3A_608 = vector.shape_cast %swap3A_607 : vector<1x1x512x128xf32> to vector<512x128xf32>
    %swap3A_609 = vector.shape_cast %max3A_602 : vector<512x128xf32> to vector<1x1x512x128xf32>
    tpu.vector_store %arg13[%swap3A_603, %swap3A_604, %swap3A_605, %swap3A_606], %swap3A_609 {strides = array<i32>} : memref<1x16x512x128xf32, #tpu.memory_space<vmem>>, vector<1x1x512x128xf32>,
    %get3A_610 = arith.constant 9 : index
    %get3A_611 = arith.constant 0 : index
    %get3A_612 = vector.load %arg7[%get3A_610, %get3A_611] : memref<16x1xf32, #tpu.memory_space<vmem>>, vector<1x1xf32>
    %get3A_613 = arith.constant 0 : index
    %get3A_614 = arith.constant 9 : index
    %get3A_615 = arith.constant 0 : index
    %get3A_616 = arith.constant 0 : index
    %get3A_617 = vector.load %arg4[%get3A_613, %get3A_614, %get3A_615, %get3A_616] : memref<1x16x512x8xf32, #tpu.memory_space<vmem>>, vector<1x1x512x8xf32>
    %get3A_618 = vector.shape_cast %get3A_617 : vector<1x1x512x8xf32> to vector<512x8xf32>
    %mul3A_619 = vector.broadcast %get3A_612 : vector<1x1xf32> to vector<512x8xf32>
    %mul3A_620 = arith.mulf %mul3A_619, %get3A_618 : vector<512x8xf32>
    %get3A_621 = arith.constant 9 : index
    %get3A_622 = arith.constant 0 : index
    %get3A_623 = vector.load %arg8[%get3A_621, %get3A_622] : memref<16x1xf32, #tpu.memory_space<vmem>>, vector<1x1xf32>
    %add3A_624 = vector.broadcast %get3A_623 : vector<1x1xf32> to vector<512x8xf32>
    %add3A_625 = arith.addf %mul3A_620, %add3A_624 : vector<512x8xf32>
    %get3A_626 = arith.constant 9 : index
    %get3A_627 = arith.constant 0 : index
    %get3A_628 = vector.load %arg9[%get3A_626, %get3A_627] : memref<16x1xf32, #tpu.memory_space<vmem>>, vector<1x1xf32>
    %get3A_629 = arith.constant 0 : index
    %get3A_630 = arith.constant 9 : index
    %get3A_631 = arith.constant 0 : index
    %get3A_632 = arith.constant 0 : index
    %get3A_633 = vector.load %arg5[%get3A_629, %get3A_630, %get3A_631, %get3A_632] : memref<1x16x512x8xf32, #tpu.memory_space<vmem>>, vector<1x1x512x8xf32>
    %get3A_634 = vector.shape_cast %get3A_633 : vector<1x1x512x8xf32> to vector<512x8xf32>
    %mul3A_635 = vector.broadcast %get3A_628 : vector<1x1xf32> to vector<512x8xf32>
    %mul3A_636 = arith.mulf %mul3A_635, %get3A_634 : vector<512x8xf32>
    %get3A_637 = arith.constant 9 : index
    %get3A_638 = arith.constant 0 : index
    %get3A_639 = vector.load %arg10[%get3A_637, %get3A_638] : memref<16x1xf32, #tpu.memory_space<vmem>>, vector<1x1xf32>
    %add3A_640 = vector.broadcast %get3A_639 : vector<1x1xf32> to vector<512x8xf32>
    %add3A_641 = arith.addf %mul3A_636, %add3A_640 : vector<512x8xf32>
    %dot_general3A_642 = arith.constant dense<0.000000e+00> : vector<512x128xf32>
    %dot_general3A_643 = tpu.matmul %add3A_625, %get3A_11, %dot_general3A_642 {dimension_numbers = #tpu.dot_dimension_numbers<[1], [0], [0], [1], [0, 0, 1, 1], [], []>, transpose_lhs_hint = false} : vector<512x8xf32>, vector<8x128xf32>, vector<512x128xf32> -> vector<512x128xf32>
    %dot_general3A_644 = arith.constant dense<0.000000e+00> : vector<512x128xf32>
    %dot_general3A_645 = tpu.matmul %add3A_641, %get3A_11, %dot_general3A_644 {dimension_numbers = #tpu.dot_dimension_numbers<[1], [0], [0], [1], [0, 0, 1, 1], [], []>, transpose_lhs_hint = false} : vector<512x8xf32>, vector<8x128xf32>, vector<512x128xf32> -> vector<512x128xf32>
    %get3A_646 = arith.constant 9 : index
    %get3A_647 = arith.constant 0 : index
    %get3A_648 = vector.load %arg11[%get3A_646, %get3A_647] : memref<16x2xf32, #tpu.memory_space<vmem>>, vector<1x1xf32>
    %mul3A_649 = vector.broadcast %get3A_648 : vector<1x1xf32> to vector<512x128xf32>
    %mul3A_650 = arith.mulf %mul3A_649, %get3A_3 : vector<512x128xf32>
    %get3A_651 = arith.constant 9 : index
    %get3A_652 = arith.constant 1 : index
    %get3A_653 = vector.load %arg11[%get3A_651, %get3A_652] : memref<16x2xf32, #tpu.memory_space<vmem>>, vector<1x1xf32>
    %mul3A_654 = vector.broadcast %get3A_653 : vector<1x1xf32> to vector<512x128xf32>
    %mul3A_655 = arith.mulf %mul3A_654, %get3A_8 : vector<512x128xf32>
    %add3A_656 = arith.addf %mul3A_650, %mul3A_655 : vector<512x128xf32>
    %get3A_657 = arith.constant 9 : index
    %get3A_658 = arith.constant 0 : index
    %get3A_659 = vector.load %arg12[%get3A_657, %get3A_658] : memref<16x1xf32, #tpu.memory_space<vmem>>, vector<1x1xf32>
    %add3A_660 = vector.broadcast %get3A_659 : vector<1x1xf32> to vector<512x128xf32>
    %add3A_661 = arith.addf %add3A_656, %add3A_660 : vector<512x128xf32>
    %add3A_662 = arith.addf %dot_general3A_643, %add3A_661 : vector<512x128xf32>
    %max3A_663 = arith.constant 0.000000e+00 : f32
    %max3A_664 = vector.broadcast %max3A_663 : f32 to vector<512x128xf32>
    %max3A_665 = arith.maximumf %add3A_662, %max3A_664 : vector<512x128xf32>
    %add3A_666 = arith.addf %dot_general3A_645, %max3A_665 : vector<512x128xf32>
    %max3A_667 = arith.constant 0.000000e+00 : f32
    %max3A_668 = vector.broadcast %max3A_667 : f32 to vector<512x128xf32>
    %max3A_669 = arith.maximumf %add3A_666, %max3A_668 : vector<512x128xf32>
    %swap3A_670 = arith.constant 0 : index
    %swap3A_671 = arith.constant 9 : index
    %swap3A_672 = arith.constant 0 : index
    %swap3A_673 = arith.constant 0 : index
    %swap3A_674 = vector.load %arg13[%swap3A_670, %swap3A_671, %swap3A_672, %swap3A_673] : memref<1x16x512x128xf32, #tpu.memory_space<vmem>>, vector<1x1x512x128xf32>
    %swap3A_675 = vector.shape_cast %swap3A_674 : vector<1x1x512x128xf32> to vector<512x128xf32>
    %swap3A_676 = vector.shape_cast %max3A_669 : vector<512x128xf32> to vector<1x1x512x128xf32>
    tpu.vector_store %arg13[%swap3A_670, %swap3A_671, %swap3A_672, %swap3A_673], %swap3A_676 {strides = array<i32>} : memref<1x16x512x128xf32, #tpu.memory_space<vmem>>, vector<1x1x512x128xf32>,
    %get3A_677 = arith.constant 10 : index
    %get3A_678 = arith.constant 0 : index
    %get3A_679 = vector.load %arg7[%get3A_677, %get3A_678] : memref<16x1xf32, #tpu.memory_space<vmem>>, vector<1x1xf32>
    %get3A_680 = arith.constant 0 : index
    %get3A_681 = arith.constant 10 : index
    %get3A_682 = arith.constant 0 : index
    %get3A_683 = arith.constant 0 : index
    %get3A_684 = vector.load %arg4[%get3A_680, %get3A_681, %get3A_682, %get3A_683] : memref<1x16x512x8xf32, #tpu.memory_space<vmem>>, vector<1x1x512x8xf32>
    %get3A_685 = vector.shape_cast %get3A_684 : vector<1x1x512x8xf32> to vector<512x8xf32>
    %mul3A_686 = vector.broadcast %get3A_679 : vector<1x1xf32> to vector<512x8xf32>
    %mul3A_687 = arith.mulf %mul3A_686, %get3A_685 : vector<512x8xf32>
    %get3A_688 = arith.constant 10 : index
    %get3A_689 = arith.constant 0 : index
    %get3A_690 = vector.load %arg8[%get3A_688, %get3A_689] : memref<16x1xf32, #tpu.memory_space<vmem>>, vector<1x1xf32>
    %add3A_691 = vector.broadcast %get3A_690 : vector<1x1xf32> to vector<512x8xf32>
    %add3A_692 = arith.addf %mul3A_687, %add3A_691 : vector<512x8xf32>
    %get3A_693 = arith.constant 10 : index
    %get3A_694 = arith.constant 0 : index
    %get3A_695 = vector.load %arg9[%get3A_693, %get3A_694] : memref<16x1xf32, #tpu.memory_space<vmem>>, vector<1x1xf32>
    %get3A_696 = arith.constant 0 : index
    %get3A_697 = arith.constant 10 : index
    %get3A_698 = arith.constant 0 : index
    %get3A_699 = arith.constant 0 : index
    %get3A_700 = vector.load %arg5[%get3A_696, %get3A_697, %get3A_698, %get3A_699] : memref<1x16x512x8xf32, #tpu.memory_space<vmem>>, vector<1x1x512x8xf32>
    %get3A_701 = vector.shape_cast %get3A_700 : vector<1x1x512x8xf32> to vector<512x8xf32>
    %mul3A_702 = vector.broadcast %get3A_695 : vector<1x1xf32> to vector<512x8xf32>
    %mul3A_703 = arith.mulf %mul3A_702, %get3A_701 : vector<512x8xf32>
    %get3A_704 = arith.constant 10 : index
    %get3A_705 = arith.constant 0 : index
    %get3A_706 = vector.load %arg10[%get3A_704, %get3A_705] : memref<16x1xf32, #tpu.memory_space<vmem>>, vector<1x1xf32>
    %add3A_707 = vector.broadcast %get3A_706 : vector<1x1xf32> to vector<512x8xf32>
    %add3A_708 = arith.addf %mul3A_703, %add3A_707 : vector<512x8xf32>
    %dot_general3A_709 = arith.constant dense<0.000000e+00> : vector<512x128xf32>
    %dot_general3A_710 = tpu.matmul %add3A_692, %get3A_11, %dot_general3A_709 {dimension_numbers = #tpu.dot_dimension_numbers<[1], [0], [0], [1], [0, 0, 1, 1], [], []>, transpose_lhs_hint = false} : vector<512x8xf32>, vector<8x128xf32>, vector<512x128xf32> -> vector<512x128xf32>
    %dot_general3A_711 = arith.constant dense<0.000000e+00> : vector<512x128xf32>
    %dot_general3A_712 = tpu.matmul %add3A_708, %get3A_11, %dot_general3A_711 {dimension_numbers = #tpu.dot_dimension_numbers<[1], [0], [0], [1], [0, 0, 1, 1], [], []>, transpose_lhs_hint = false} : vector<512x8xf32>, vector<8x128xf32>, vector<512x128xf32> -> vector<512x128xf32>
    %get3A_713 = arith.constant 10 : index
    %get3A_714 = arith.constant 0 : index
    %get3A_715 = vector.load %arg11[%get3A_713, %get3A_714] : memref<16x2xf32, #tpu.memory_space<vmem>>, vector<1x1xf32>
    %mul3A_716 = vector.broadcast %get3A_715 : vector<1x1xf32> to vector<512x128xf32>
    %mul3A_717 = arith.mulf %mul3A_716, %get3A_3 : vector<512x128xf32>
    %get3A_718 = arith.constant 10 : index
    %get3A_719 = arith.constant 1 : index
    %get3A_720 = vector.load %arg11[%get3A_718, %get3A_719] : memref<16x2xf32, #tpu.memory_space<vmem>>, vector<1x1xf32>
    %mul3A_721 = vector.broadcast %get3A_720 : vector<1x1xf32> to vector<512x128xf32>
    %mul3A_722 = arith.mulf %mul3A_721, %get3A_8 : vector<512x128xf32>
    %add3A_723 = arith.addf %mul3A_717, %mul3A_722 : vector<512x128xf32>
    %get3A_724 = arith.constant 10 : index
    %get3A_725 = arith.constant 0 : index
    %get3A_726 = vector.load %arg12[%get3A_724, %get3A_725] : memref<16x1xf32, #tpu.memory_space<vmem>>, vector<1x1xf32>
    %add3A_727 = vector.broadcast %get3A_726 : vector<1x1xf32> to vector<512x128xf32>
    %add3A_728 = arith.addf %add3A_723, %add3A_727 : vector<512x128xf32>
    %add3A_729 = arith.addf %dot_general3A_710, %add3A_728 : vector<512x128xf32>
    %max3A_730 = arith.constant 0.000000e+00 : f32
    %max3A_731 = vector.broadcast %max3A_730 : f32 to vector<512x128xf32>
    %max3A_732 = arith.maximumf %add3A_729, %max3A_731 : vector<512x128xf32>
    %add3A_733 = arith.addf %dot_general3A_712, %max3A_732 : vector<512x128xf32>
    %max3A_734 = arith.constant 0.000000e+00 : f32
    %max3A_735 = vector.broadcast %max3A_734 : f32 to vector<512x128xf32>
    %max3A_736 = arith.maximumf %add3A_733, %max3A_735 : vector<512x128xf32>
    %swap3A_737 = arith.constant 0 : index
    %swap3A_738 = arith.constant 10 : index
    %swap3A_739 = arith.constant 0 : index
    %swap3A_740 = arith.constant 0 : index
    %swap3A_741 = vector.load %arg13[%swap3A_737, %swap3A_738, %swap3A_739, %swap3A_740] : memref<1x16x512x128xf32, #tpu.memory_space<vmem>>, vector<1x1x512x128xf32>
    %swap3A_742 = vector.shape_cast %swap3A_741 : vector<1x1x512x128xf32> to vector<512x128xf32>
    %swap3A_743 = vector.shape_cast %max3A_736 : vector<512x128xf32> to vector<1x1x512x128xf32>
    tpu.vector_store %arg13[%swap3A_737, %swap3A_738, %swap3A_739, %swap3A_740], %swap3A_743 {strides = array<i32>} : memref<1x16x512x128xf32, #tpu.memory_space<vmem>>, vector<1x1x512x128xf32>,
    %get3A_744 = arith.constant 11 : index
    %get3A_745 = arith.constant 0 : index
    %get3A_746 = vector.load %arg7[%get3A_744, %get3A_745] : memref<16x1xf32, #tpu.memory_space<vmem>>, vector<1x1xf32>
    %get3A_747 = arith.constant 0 : index
    %get3A_748 = arith.constant 11 : index
    %get3A_749 = arith.constant 0 : index
    %get3A_750 = arith.constant 0 : index
    %get3A_751 = vector.load %arg4[%get3A_747, %get3A_748, %get3A_749, %get3A_750] : memref<1x16x512x8xf32, #tpu.memory_space<vmem>>, vector<1x1x512x8xf32>
    %get3A_752 = vector.shape_cast %get3A_751 : vector<1x1x512x8xf32> to vector<512x8xf32>
    %mul3A_753 = vector.broadcast %get3A_746 : vector<1x1xf32> to vector<512x8xf32>
    %mul3A_754 = arith.mulf %mul3A_753, %get3A_752 : vector<512x8xf32>
    %get3A_755 = arith.constant 11 : index
    %get3A_756 = arith.constant 0 : index
    %get3A_757 = vector.load %arg8[%get3A_755, %get3A_756] : memref<16x1xf32, #tpu.memory_space<vmem>>, vector<1x1xf32>
    %add3A_758 = vector.broadcast %get3A_757 : vector<1x1xf32> to vector<512x8xf32>
    %add3A_759 = arith.addf %mul3A_754, %add3A_758 : vector<512x8xf32>
    %get3A_760 = arith.constant 11 : index
    %get3A_761 = arith.constant 0 : index
    %get3A_762 = vector.load %arg9[%get3A_760, %get3A_761] : memref<16x1xf32, #tpu.memory_space<vmem>>, vector<1x1xf32>
    %get3A_763 = arith.constant 0 : index
    %get3A_764 = arith.constant 11 : index
    %get3A_765 = arith.constant 0 : index
    %get3A_766 = arith.constant 0 : index
    %get3A_767 = vector.load %arg5[%get3A_763, %get3A_764, %get3A_765, %get3A_766] : memref<1x16x512x8xf32, #tpu.memory_space<vmem>>, vector<1x1x512x8xf32>
    %get3A_768 = vector.shape_cast %get3A_767 : vector<1x1x512x8xf32> to vector<512x8xf32>
    %mul3A_769 = vector.broadcast %get3A_762 : vector<1x1xf32> to vector<512x8xf32>
    %mul3A_770 = arith.mulf %mul3A_769, %get3A_768 : vector<512x8xf32>
    %get3A_771 = arith.constant 11 : index
    %get3A_772 = arith.constant 0 : index
    %get3A_773 = vector.load %arg10[%get3A_771, %get3A_772] : memref<16x1xf32, #tpu.memory_space<vmem>>, vector<1x1xf32>
    %add3A_774 = vector.broadcast %get3A_773 : vector<1x1xf32> to vector<512x8xf32>
    %add3A_775 = arith.addf %mul3A_770, %add3A_774 : vector<512x8xf32>
    %dot_general3A_776 = arith.constant dense<0.000000e+00> : vector<512x128xf32>
    %dot_general3A_777 = tpu.matmul %add3A_759, %get3A_11, %dot_general3A_776 {dimension_numbers = #tpu.dot_dimension_numbers<[1], [0], [0], [1], [0, 0, 1, 1], [], []>, transpose_lhs_hint = false} : vector<512x8xf32>, vector<8x128xf32>, vector<512x128xf32> -> vector<512x128xf32>
    %dot_general3A_778 = arith.constant dense<0.000000e+00> : vector<512x128xf32>
    %dot_general3A_779 = tpu.matmul %add3A_775, %get3A_11, %dot_general3A_778 {dimension_numbers = #tpu.dot_dimension_numbers<[1], [0], [0], [1], [0, 0, 1, 1], [], []>, transpose_lhs_hint = false} : vector<512x8xf32>, vector<8x128xf32>, vector<512x128xf32> -> vector<512x128xf32>
    %get3A_780 = arith.constant 11 : index
    %get3A_781 = arith.constant 0 : index
    %get3A_782 = vector.load %arg11[%get3A_780, %get3A_781] : memref<16x2xf32, #tpu.memory_space<vmem>>, vector<1x1xf32>
    %mul3A_783 = vector.broadcast %get3A_782 : vector<1x1xf32> to vector<512x128xf32>
    %mul3A_784 = arith.mulf %mul3A_783, %get3A_3 : vector<512x128xf32>
    %get3A_785 = arith.constant 11 : index
    %get3A_786 = arith.constant 1 : index
    %get3A_787 = vector.load %arg11[%get3A_785, %get3A_786] : memref<16x2xf32, #tpu.memory_space<vmem>>, vector<1x1xf32>
    %mul3A_788 = vector.broadcast %get3A_787 : vector<1x1xf32> to vector<512x128xf32>
    %mul3A_789 = arith.mulf %mul3A_788, %get3A_8 : vector<512x128xf32>
    %add3A_790 = arith.addf %mul3A_784, %mul3A_789 : vector<512x128xf32>
    %get3A_791 = arith.constant 11 : index
    %get3A_792 = arith.constant 0 : index
    %get3A_793 = vector.load %arg12[%get3A_791, %get3A_792] : memref<16x1xf32, #tpu.memory_space<vmem>>, vector<1x1xf32>
    %add3A_794 = vector.broadcast %get3A_793 : vector<1x1xf32> to vector<512x128xf32>
    %add3A_795 = arith.addf %add3A_790, %add3A_794 : vector<512x128xf32>
    %add3A_796 = arith.addf %dot_general3A_777, %add3A_795 : vector<512x128xf32>
    %max3A_797 = arith.constant 0.000000e+00 : f32
    %max3A_798 = vector.broadcast %max3A_797 : f32 to vector<512x128xf32>
    %max3A_799 = arith.maximumf %add3A_796, %max3A_798 : vector<512x128xf32>
    %add3A_800 = arith.addf %dot_general3A_779, %max3A_799 : vector<512x128xf32>
    %max3A_801 = arith.constant 0.000000e+00 : f32
    %max3A_802 = vector.broadcast %max3A_801 : f32 to vector<512x128xf32>
    %max3A_803 = arith.maximumf %add3A_800, %max3A_802 : vector<512x128xf32>
    %swap3A_804 = arith.constant 0 : index
    %swap3A_805 = arith.constant 11 : index
    %swap3A_806 = arith.constant 0 : index
    %swap3A_807 = arith.constant 0 : index
    %swap3A_808 = vector.load %arg13[%swap3A_804, %swap3A_805, %swap3A_806, %swap3A_807] : memref<1x16x512x128xf32, #tpu.memory_space<vmem>>, vector<1x1x512x128xf32>
    %swap3A_809 = vector.shape_cast %swap3A_808 : vector<1x1x512x128xf32> to vector<512x128xf32>
    %swap3A_810 = vector.shape_cast %max3A_803 : vector<512x128xf32> to vector<1x1x512x128xf32>
    tpu.vector_store %arg13[%swap3A_804, %swap3A_805, %swap3A_806, %swap3A_807], %swap3A_810 {strides = array<i32>} : memref<1x16x512x128xf32, #tpu.memory_space<vmem>>, vector<1x1x512x128xf32>,
    %get3A_811 = arith.constant 12 : index
    %get3A_812 = arith.constant 0 : index
    %get3A_813 = vector.load %arg7[%get3A_811, %get3A_812] : memref<16x1xf32, #tpu.memory_space<vmem>>, vector<1x1xf32>
    %get3A_814 = arith.constant 0 : index
    %get3A_815 = arith.constant 12 : index
    %get3A_816 = arith.constant 0 : index
    %get3A_817 = arith.constant 0 : index
    %get3A_818 = vector.load %arg4[%get3A_814, %get3A_815, %get3A_816, %get3A_817] : memref<1x16x512x8xf32, #tpu.memory_space<vmem>>, vector<1x1x512x8xf32>
    %get3A_819 = vector.shape_cast %get3A_818 : vector<1x1x512x8xf32> to vector<512x8xf32>
    %mul3A_820 = vector.broadcast %get3A_813 : vector<1x1xf32> to vector<512x8xf32>
    %mul3A_821 = arith.mulf %mul3A_820, %get3A_819 : vector<512x8xf32>
    %get3A_822 = arith.constant 12 : index
    %get3A_823 = arith.constant 0 : index
    %get3A_824 = vector.load %arg8[%get3A_822, %get3A_823] : memref<16x1xf32, #tpu.memory_space<vmem>>, vector<1x1xf32>
    %add3A_825 = vector.broadcast %get3A_824 : vector<1x1xf32> to vector<512x8xf32>
    %add3A_826 = arith.addf %mul3A_821, %add3A_825 : vector<512x8xf32>
    %get3A_827 = arith.constant 12 : index
    %get3A_828 = arith.constant 0 : index
    %get3A_829 = vector.load %arg9[%get3A_827, %get3A_828] : memref<16x1xf32, #tpu.memory_space<vmem>>, vector<1x1xf32>
    %get3A_830 = arith.constant 0 : index
    %get3A_831 = arith.constant 12 : index
    %get3A_832 = arith.constant 0 : index
    %get3A_833 = arith.constant 0 : index
    %get3A_834 = vector.load %arg5[%get3A_830, %get3A_831, %get3A_832, %get3A_833] : memref<1x16x512x8xf32, #tpu.memory_space<vmem>>, vector<1x1x512x8xf32>
    %get3A_835 = vector.shape_cast %get3A_834 : vector<1x1x512x8xf32> to vector<512x8xf32>
    %mul3A_836 = vector.broadcast %get3A_829 : vector<1x1xf32> to vector<512x8xf32>
    %mul3A_837 = arith.mulf %mul3A_836, %get3A_835 : vector<512x8xf32>
    %get3A_838 = arith.constant 12 : index
    %get3A_839 = arith.constant 0 : index
    %get3A_840 = vector.load %arg10[%get3A_838, %get3A_839] : memref<16x1xf32, #tpu.memory_space<vmem>>, vector<1x1xf32>
    %add3A_841 = vector.broadcast %get3A_840 : vector<1x1xf32> to vector<512x8xf32>
    %add3A_842 = arith.addf %mul3A_837, %add3A_841 : vector<512x8xf32>
    %dot_general3A_843 = arith.constant dense<0.000000e+00> : vector<512x128xf32>
    %dot_general3A_844 = tpu.matmul %add3A_826, %get3A_11, %dot_general3A_843 {dimension_numbers = #tpu.dot_dimension_numbers<[1], [0], [0], [1], [0, 0, 1, 1], [], []>, transpose_lhs_hint = false} : vector<512x8xf32>, vector<8x128xf32>, vector<512x128xf32> -> vector<512x128xf32>
    %dot_general3A_845 = arith.constant dense<0.000000e+00> : vector<512x128xf32>
    %dot_general3A_846 = tpu.matmul %add3A_842, %get3A_11, %dot_general3A_845 {dimension_numbers = #tpu.dot_dimension_numbers<[1], [0], [0], [1], [0, 0, 1, 1], [], []>, transpose_lhs_hint = false} : vector<512x8xf32>, vector<8x128xf32>, vector<512x128xf32> -> vector<512x128xf32>
    %get3A_847 = arith.constant 12 : index
    %get3A_848 = arith.constant 0 : index
    %get3A_849 = vector.load %arg11[%get3A_847, %get3A_848] : memref<16x2xf32, #tpu.memory_space<vmem>>, vector<1x1xf32>
    %mul3A_850 = vector.broadcast %get3A_849 : vector<1x1xf32> to vector<512x128xf32>
    %mul3A_851 = arith.mulf %mul3A_850, %get3A_3 : vector<512x128xf32>
    %get3A_852 = arith.constant 12 : index
    %get3A_853 = arith.constant 1 : index
    %get3A_854 = vector.load %arg11[%get3A_852, %get3A_853] : memref<16x2xf32, #tpu.memory_space<vmem>>, vector<1x1xf32>
    %mul3A_855 = vector.broadcast %get3A_854 : vector<1x1xf32> to vector<512x128xf32>
    %mul3A_856 = arith.mulf %mul3A_855, %get3A_8 : vector<512x128xf32>
    %add3A_857 = arith.addf %mul3A_851, %mul3A_856 : vector<512x128xf32>
    %get3A_858 = arith.constant 12 : index
    %get3A_859 = arith.constant 0 : index
    %get3A_860 = vector.load %arg12[%get3A_858, %get3A_859] : memref<16x1xf32, #tpu.memory_space<vmem>>, vector<1x1xf32>
    %add3A_861 = vector.broadcast %get3A_860 : vector<1x1xf32> to vector<512x128xf32>
    %add3A_862 = arith.addf %add3A_857, %add3A_861 : vector<512x128xf32>
    %add3A_863 = arith.addf %dot_general3A_844, %add3A_862 : vector<512x128xf32>
    %max3A_864 = arith.constant 0.000000e+00 : f32
    %max3A_865 = vector.broadcast %max3A_864 : f32 to vector<512x128xf32>
    %max3A_866 = arith.maximumf %add3A_863, %max3A_865 : vector<512x128xf32>
    %add3A_867 = arith.addf %dot_general3A_846, %max3A_866 : vector<512x128xf32>
    %max3A_868 = arith.constant 0.000000e+00 : f32
    %max3A_869 = vector.broadcast %max3A_868 : f32 to vector<512x128xf32>
    %max3A_870 = arith.maximumf %add3A_867, %max3A_869 : vector<512x128xf32>
    %swap3A_871 = arith.constant 0 : index
    %swap3A_872 = arith.constant 12 : index
    %swap3A_873 = arith.constant 0 : index
    %swap3A_874 = arith.constant 0 : index
    %swap3A_875 = vector.load %arg13[%swap3A_871, %swap3A_872, %swap3A_873, %swap3A_874] : memref<1x16x512x128xf32, #tpu.memory_space<vmem>>, vector<1x1x512x128xf32>
    %swap3A_876 = vector.shape_cast %swap3A_875 : vector<1x1x512x128xf32> to vector<512x128xf32>
    %swap3A_877 = vector.shape_cast %max3A_870 : vector<512x128xf32> to vector<1x1x512x128xf32>
    tpu.vector_store %arg13[%swap3A_871, %swap3A_872, %swap3A_873, %swap3A_874], %swap3A_877 {strides = array<i32>} : memref<1x16x512x128xf32, #tpu.memory_space<vmem>>, vector<1x1x512x128xf32>,
    %get3A_878 = arith.constant 13 : index
    %get3A_879 = arith.constant 0 : index
    %get3A_880 = vector.load %arg7[%get3A_878, %get3A_879] : memref<16x1xf32, #tpu.memory_space<vmem>>, vector<1x1xf32>
    %get3A_881 = arith.constant 0 : index
    %get3A_882 = arith.constant 13 : index
    %get3A_883 = arith.constant 0 : index
    %get3A_884 = arith.constant 0 : index
    %get3A_885 = vector.load %arg4[%get3A_881, %get3A_882, %get3A_883, %get3A_884] : memref<1x16x512x8xf32, #tpu.memory_space<vmem>>, vector<1x1x512x8xf32>
    %get3A_886 = vector.shape_cast %get3A_885 : vector<1x1x512x8xf32> to vector<512x8xf32>
    %mul3A_887 = vector.broadcast %get3A_880 : vector<1x1xf32> to vector<512x8xf32>
    %mul3A_888 = arith.mulf %mul3A_887, %get3A_886 : vector<512x8xf32>
    %get3A_889 = arith.constant 13 : index
    %get3A_890 = arith.constant 0 : index
    %get3A_891 = vector.load %arg8[%get3A_889, %get3A_890] : memref<16x1xf32, #tpu.memory_space<vmem>>, vector<1x1xf32>
    %add3A_892 = vector.broadcast %get3A_891 : vector<1x1xf32> to vector<512x8xf32>
    %add3A_893 = arith.addf %mul3A_888, %add3A_892 : vector<512x8xf32>
    %get3A_894 = arith.constant 13 : index
    %get3A_895 = arith.constant 0 : index
    %get3A_896 = vector.load %arg9[%get3A_894, %get3A_895] : memref<16x1xf32, #tpu.memory_space<vmem>>, vector<1x1xf32>
    %get3A_897 = arith.constant 0 : index
    %get3A_898 = arith.constant 13 : index
    %get3A_899 = arith.constant 0 : index
    %get3A_900 = arith.constant 0 : index
    %get3A_901 = vector.load %arg5[%get3A_897, %get3A_898, %get3A_899, %get3A_900] : memref<1x16x512x8xf32, #tpu.memory_space<vmem>>, vector<1x1x512x8xf32>
    %get3A_902 = vector.shape_cast %get3A_901 : vector<1x1x512x8xf32> to vector<512x8xf32>
    %mul3A_903 = vector.broadcast %get3A_896 : vector<1x1xf32> to vector<512x8xf32>
    %mul3A_904 = arith.mulf %mul3A_903, %get3A_902 : vector<512x8xf32>
    %get3A_905 = arith.constant 13 : index
    %get3A_906 = arith.constant 0 : index
    %get3A_907 = vector.load %arg10[%get3A_905, %get3A_906] : memref<16x1xf32, #tpu.memory_space<vmem>>, vector<1x1xf32>
    %add3A_908 = vector.broadcast %get3A_907 : vector<1x1xf32> to vector<512x8xf32>
    %add3A_909 = arith.addf %mul3A_904, %add3A_908 : vector<512x8xf32>
    %dot_general3A_910 = arith.constant dense<0.000000e+00> : vector<512x128xf32>
    %dot_general3A_911 = tpu.matmul %add3A_893, %get3A_11, %dot_general3A_910 {dimension_numbers = #tpu.dot_dimension_numbers<[1], [0], [0], [1], [0, 0, 1, 1], [], []>, transpose_lhs_hint = false} : vector<512x8xf32>, vector<8x128xf32>, vector<512x128xf32> -> vector<512x128xf32>
    %dot_general3A_912 = arith.constant dense<0.000000e+00> : vector<512x128xf32>
    %dot_general3A_913 = tpu.matmul %add3A_909, %get3A_11, %dot_general3A_912 {dimension_numbers = #tpu.dot_dimension_numbers<[1], [0], [0], [1], [0, 0, 1, 1], [], []>, transpose_lhs_hint = false} : vector<512x8xf32>, vector<8x128xf32>, vector<512x128xf32> -> vector<512x128xf32>
    %get3A_914 = arith.constant 13 : index
    %get3A_915 = arith.constant 0 : index
    %get3A_916 = vector.load %arg11[%get3A_914, %get3A_915] : memref<16x2xf32, #tpu.memory_space<vmem>>, vector<1x1xf32>
    %mul3A_917 = vector.broadcast %get3A_916 : vector<1x1xf32> to vector<512x128xf32>
    %mul3A_918 = arith.mulf %mul3A_917, %get3A_3 : vector<512x128xf32>
    %get3A_919 = arith.constant 13 : index
    %get3A_920 = arith.constant 1 : index
    %get3A_921 = vector.load %arg11[%get3A_919, %get3A_920] : memref<16x2xf32, #tpu.memory_space<vmem>>, vector<1x1xf32>
    %mul3A_922 = vector.broadcast %get3A_921 : vector<1x1xf32> to vector<512x128xf32>
    %mul3A_923 = arith.mulf %mul3A_922, %get3A_8 : vector<512x128xf32>
    %add3A_924 = arith.addf %mul3A_918, %mul3A_923 : vector<512x128xf32>
    %get3A_925 = arith.constant 13 : index
    %get3A_926 = arith.constant 0 : index
    %get3A_927 = vector.load %arg12[%get3A_925, %get3A_926] : memref<16x1xf32, #tpu.memory_space<vmem>>, vector<1x1xf32>
    %add3A_928 = vector.broadcast %get3A_927 : vector<1x1xf32> to vector<512x128xf32>
    %add3A_929 = arith.addf %add3A_924, %add3A_928 : vector<512x128xf32>
    %add3A_930 = arith.addf %dot_general3A_911, %add3A_929 : vector<512x128xf32>
    %max3A_931 = arith.constant 0.000000e+00 : f32
    %max3A_932 = vector.broadcast %max3A_931 : f32 to vector<512x128xf32>
    %max3A_933 = arith.maximumf %add3A_930, %max3A_932 : vector<512x128xf32>
    %add3A_934 = arith.addf %dot_general3A_913, %max3A_933 : vector<512x128xf32>
    %max3A_935 = arith.constant 0.000000e+00 : f32
    %max3A_936 = vector.broadcast %max3A_935 : f32 to vector<512x128xf32>
    %max3A_937 = arith.maximumf %add3A_934, %max3A_936 : vector<512x128xf32>
    %swap3A_938 = arith.constant 0 : index
    %swap3A_939 = arith.constant 13 : index
    %swap3A_940 = arith.constant 0 : index
    %swap3A_941 = arith.constant 0 : index
    %swap3A_942 = vector.load %arg13[%swap3A_938, %swap3A_939, %swap3A_940, %swap3A_941] : memref<1x16x512x128xf32, #tpu.memory_space<vmem>>, vector<1x1x512x128xf32>
    %swap3A_943 = vector.shape_cast %swap3A_942 : vector<1x1x512x128xf32> to vector<512x128xf32>
    %swap3A_944 = vector.shape_cast %max3A_937 : vector<512x128xf32> to vector<1x1x512x128xf32>
    tpu.vector_store %arg13[%swap3A_938, %swap3A_939, %swap3A_940, %swap3A_941], %swap3A_944 {strides = array<i32>} : memref<1x16x512x128xf32, #tpu.memory_space<vmem>>, vector<1x1x512x128xf32>,
    %get3A_945 = arith.constant 14 : index
    %get3A_946 = arith.constant 0 : index
    %get3A_947 = vector.load %arg7[%get3A_945, %get3A_946] : memref<16x1xf32, #tpu.memory_space<vmem>>, vector<1x1xf32>
    %get3A_948 = arith.constant 0 : index
    %get3A_949 = arith.constant 14 : index
    %get3A_950 = arith.constant 0 : index
    %get3A_951 = arith.constant 0 : index
    %get3A_952 = vector.load %arg4[%get3A_948, %get3A_949, %get3A_950, %get3A_951] : memref<1x16x512x8xf32, #tpu.memory_space<vmem>>, vector<1x1x512x8xf32>
    %get3A_953 = vector.shape_cast %get3A_952 : vector<1x1x512x8xf32> to vector<512x8xf32>
    %mul3A_954 = vector.broadcast %get3A_947 : vector<1x1xf32> to vector<512x8xf32>
    %mul3A_955 = arith.mulf %mul3A_954, %get3A_953 : vector<512x8xf32>
    %get3A_956 = arith.constant 14 : index
    %get3A_957 = arith.constant 0 : index
    %get3A_958 = vector.load %arg8[%get3A_956, %get3A_957] : memref<16x1xf32, #tpu.memory_space<vmem>>, vector<1x1xf32>
    %add3A_959 = vector.broadcast %get3A_958 : vector<1x1xf32> to vector<512x8xf32>
    %add3A_960 = arith.addf %mul3A_955, %add3A_959 : vector<512x8xf32>
    %get3A_961 = arith.constant 14 : index
    %get3A_962 = arith.constant 0 : index
    %get3A_963 = vector.load %arg9[%get3A_961, %get3A_962] : memref<16x1xf32, #tpu.memory_space<vmem>>, vector<1x1xf32>
    %get3A_964 = arith.constant 0 : index
    %get3A_965 = arith.constant 14 : index
    %get3A_966 = arith.constant 0 : index
    %get3A_967 = arith.constant 0 : index
    %get3A_968 = vector.load %arg5[%get3A_964, %get3A_965, %get3A_966, %get3A_967] : memref<1x16x512x8xf32, #tpu.memory_space<vmem>>, vector<1x1x512x8xf32>
    %get3A_969 = vector.shape_cast %get3A_968 : vector<1x1x512x8xf32> to vector<512x8xf32>
    %mul3A_970 = vector.broadcast %get3A_963 : vector<1x1xf32> to vector<512x8xf32>
    %mul3A_971 = arith.mulf %mul3A_970, %get3A_969 : vector<512x8xf32>
    %get3A_972 = arith.constant 14 : index
    %get3A_973 = arith.constant 0 : index
    %get3A_974 = vector.load %arg10[%get3A_972, %get3A_973] : memref<16x1xf32, #tpu.memory_space<vmem>>, vector<1x1xf32>
    %add3A_975 = vector.broadcast %get3A_974 : vector<1x1xf32> to vector<512x8xf32>
    %add3A_976 = arith.addf %mul3A_971, %add3A_975 : vector<512x8xf32>
    %dot_general3A_977 = arith.constant dense<0.000000e+00> : vector<512x128xf32>
    %dot_general3A_978 = tpu.matmul %add3A_960, %get3A_11, %dot_general3A_977 {dimension_numbers = #tpu.dot_dimension_numbers<[1], [0], [0], [1], [0, 0, 1, 1], [], []>, transpose_lhs_hint = false} : vector<512x8xf32>, vector<8x128xf32>, vector<512x128xf32> -> vector<512x128xf32>
    %dot_general3A_979 = arith.constant dense<0.000000e+00> : vector<512x128xf32>
    %dot_general3A_980 = tpu.matmul %add3A_976, %get3A_11, %dot_general3A_979 {dimension_numbers = #tpu.dot_dimension_numbers<[1], [0], [0], [1], [0, 0, 1, 1], [], []>, transpose_lhs_hint = false} : vector<512x8xf32>, vector<8x128xf32>, vector<512x128xf32> -> vector<512x128xf32>
    %get3A_981 = arith.constant 14 : index
    %get3A_982 = arith.constant 0 : index
    %get3A_983 = vector.load %arg11[%get3A_981, %get3A_982] : memref<16x2xf32, #tpu.memory_space<vmem>>, vector<1x1xf32>
    %mul3A_984 = vector.broadcast %get3A_983 : vector<1x1xf32> to vector<512x128xf32>
    %mul3A_985 = arith.mulf %mul3A_984, %get3A_3 : vector<512x128xf32>
    %get3A_986 = arith.constant 14 : index
    %get3A_987 = arith.constant 1 : index
    %get3A_988 = vector.load %arg11[%get3A_986, %get3A_987] : memref<16x2xf32, #tpu.memory_space<vmem>>, vector<1x1xf32>
    %mul3A_989 = vector.broadcast %get3A_988 : vector<1x1xf32> to vector<512x128xf32>
    %mul3A_990 = arith.mulf %mul3A_989, %get3A_8 : vector<512x128xf32>
    %add3A_991 = arith.addf %mul3A_985, %mul3A_990 : vector<512x128xf32>
    %get3A_992 = arith.constant 14 : index
    %get3A_993 = arith.constant 0 : index
    %get3A_994 = vector.load %arg12[%get3A_992, %get3A_993] : memref<16x1xf32, #tpu.memory_space<vmem>>, vector<1x1xf32>
    %add3A_995 = vector.broadcast %get3A_994 : vector<1x1xf32> to vector<512x128xf32>
    %add3A_996 = arith.addf %add3A_991, %add3A_995 : vector<512x128xf32>
    %add3A_997 = arith.addf %dot_general3A_978, %add3A_996 : vector<512x128xf32>
    %max3A_998 = arith.constant 0.000000e+00 : f32
    %max3A_999 = vector.broadcast %max3A_998 : f32 to vector<512x128xf32>
    %max3A_1000 = arith.maximumf %add3A_997, %max3A_999 : vector<512x128xf32>
    %add3A_1001 = arith.addf %dot_general3A_980, %max3A_1000 : vector<512x128xf32>
    %max3A_1002 = arith.constant 0.000000e+00 : f32
    %max3A_1003 = vector.broadcast %max3A_1002 : f32 to vector<512x128xf32>
    %max3A_1004 = arith.maximumf %add3A_1001, %max3A_1003 : vector<512x128xf32>
    %swap3A_1005 = arith.constant 0 : index
    %swap3A_1006 = arith.constant 14 : index
    %swap3A_1007 = arith.constant 0 : index
    %swap3A_1008 = arith.constant 0 : index
    %swap3A_1009 = vector.load %arg13[%swap3A_1005, %swap3A_1006, %swap3A_1007, %swap3A_1008] : memref<1x16x512x128xf32, #tpu.memory_space<vmem>>, vector<1x1x512x128xf32>
    %swap3A_1010 = vector.shape_cast %swap3A_1009 : vector<1x1x512x128xf32> to vector<512x128xf32>
    %swap3A_1011 = vector.shape_cast %max3A_1004 : vector<512x128xf32> to vector<1x1x512x128xf32>
    tpu.vector_store %arg13[%swap3A_1005, %swap3A_1006, %swap3A_1007, %swap3A_1008], %swap3A_1011 {strides = array<i32>} : memref<1x16x512x128xf32, #tpu.memory_space<vmem>>, vector<1x1x512x128xf32>,
    %get3A_1012 = arith.constant 15 : index
    %get3A_1013 = arith.constant 0 : index
    %get3A_1014 = vector.load %arg7[%get3A_1012, %get3A_1013] : memref<16x1xf32, #tpu.memory_space<vmem>>, vector<1x1xf32>
    %get3A_1015 = arith.constant 0 : index
    %get3A_1016 = arith.constant 15 : index
    %get3A_1017 = arith.constant 0 : index
    %get3A_1018 = arith.constant 0 : index
    %get3A_1019 = vector.load %arg4[%get3A_1015, %get3A_1016, %get3A_1017, %get3A_1018] : memref<1x16x512x8xf32, #tpu.memory_space<vmem>>, vector<1x1x512x8xf32>
    %get3A_1020 = vector.shape_cast %get3A_1019 : vector<1x1x512x8xf32> to vector<512x8xf32>
    %mul3A_1021 = vector.broadcast %get3A_1014 : vector<1x1xf32> to vector<512x8xf32>
    %mul3A_1022 = arith.mulf %mul3A_1021, %get3A_1020 : vector<512x8xf32>
    %get3A_1023 = arith.constant 15 : index
    %get3A_1024 = arith.constant 0 : index
    %get3A_1025 = vector.load %arg8[%get3A_1023, %get3A_1024] : memref<16x1xf32, #tpu.memory_space<vmem>>, vector<1x1xf32>
    %add3A_1026 = vector.broadcast %get3A_1025 : vector<1x1xf32> to vector<512x8xf32>
    %add3A_1027 = arith.addf %mul3A_1022, %add3A_1026 : vector<512x8xf32>
    %get3A_1028 = arith.constant 15 : index
    %get3A_1029 = arith.constant 0 : index
    %get3A_1030 = vector.load %arg9[%get3A_1028, %get3A_1029] : memref<16x1xf32, #tpu.memory_space<vmem>>, vector<1x1xf32>
    %get3A_1031 = arith.constant 0 : index
    %get3A_1032 = arith.constant 15 : index
    %get3A_1033 = arith.constant 0 : index
    %get3A_1034 = arith.constant 0 : index
    %get3A_1035 = vector.load %arg5[%get3A_1031, %get3A_1032, %get3A_1033, %get3A_1034] : memref<1x16x512x8xf32, #tpu.memory_space<vmem>>, vector<1x1x512x8xf32>
    %get3A_1036 = vector.shape_cast %get3A_1035 : vector<1x1x512x8xf32> to vector<512x8xf32>
    %mul3A_1037 = vector.broadcast %get3A_1030 : vector<1x1xf32> to vector<512x8xf32>
    %mul3A_1038 = arith.mulf %mul3A_1037, %get3A_1036 : vector<512x8xf32>
    %get3A_1039 = arith.constant 15 : index
    %get3A_1040 = arith.constant 0 : index
    %get3A_1041 = vector.load %arg10[%get3A_1039, %get3A_1040] : memref<16x1xf32, #tpu.memory_space<vmem>>, vector<1x1xf32>
    %add3A_1042 = vector.broadcast %get3A_1041 : vector<1x1xf32> to vector<512x8xf32>
    %add3A_1043 = arith.addf %mul3A_1038, %add3A_1042 : vector<512x8xf32>
    %dot_general3A_1044 = arith.constant dense<0.000000e+00> : vector<512x128xf32>
    %dot_general3A_1045 = tpu.matmul %add3A_1027, %get3A_11, %dot_general3A_1044 {dimension_numbers = #tpu.dot_dimension_numbers<[1], [0], [0], [1], [0, 0, 1, 1], [], []>, transpose_lhs_hint = false} : vector<512x8xf32>, vector<8x128xf32>, vector<512x128xf32> -> vector<512x128xf32>
    %dot_general3A_1046 = arith.constant dense<0.000000e+00> : vector<512x128xf32>
    %dot_general3A_1047 = tpu.matmul %add3A_1043, %get3A_11, %dot_general3A_1046 {dimension_numbers = #tpu.dot_dimension_numbers<[1], [0], [0], [1], [0, 0, 1, 1], [], []>, transpose_lhs_hint = false} : vector<512x8xf32>, vector<8x128xf32>, vector<512x128xf32> -> vector<512x128xf32>
    %get3A_1048 = arith.constant 15 : index
    %get3A_1049 = arith.constant 0 : index
    %get3A_1050 = vector.load %arg11[%get3A_1048, %get3A_1049] : memref<16x2xf32, #tpu.memory_space<vmem>>, vector<1x1xf32>
    %mul3A_1051 = vector.broadcast %get3A_1050 : vector<1x1xf32> to vector<512x128xf32>
    %mul3A_1052 = arith.mulf %mul3A_1051, %get3A_3 : vector<512x128xf32>
    %get3A_1053 = arith.constant 15 : index
    %get3A_1054 = arith.constant 1 : index
    %get3A_1055 = vector.load %arg11[%get3A_1053, %get3A_1054] : memref<16x2xf32, #tpu.memory_space<vmem>>, vector<1x1xf32>
    %mul3A_1056 = vector.broadcast %get3A_1055 : vector<1x1xf32> to vector<512x128xf32>
    %mul3A_1057 = arith.mulf %mul3A_1056, %get3A_8 : vector<512x128xf32>
    %add3A_1058 = arith.addf %mul3A_1052, %mul3A_1057 : vector<512x128xf32>
    %get3A_1059 = arith.constant 15 : index
    %get3A_1060 = arith.constant 0 : index
    %get3A_1061 = vector.load %arg12[%get3A_1059, %get3A_1060] : memref<16x1xf32, #tpu.memory_space<vmem>>, vector<1x1xf32>
    %add3A_1062 = vector.broadcast %get3A_1061 : vector<1x1xf32> to vector<512x128xf32>
    %add3A_1063 = arith.addf %add3A_1058, %add3A_1062 : vector<512x128xf32>
    %add3A_1064 = arith.addf %dot_general3A_1045, %add3A_1063 : vector<512x128xf32>
    %max3A_1065 = arith.constant 0.000000e+00 : f32
    %max3A_1066 = vector.broadcast %max3A_1065 : f32 to vector<512x128xf32>
    %max3A_1067 = arith.maximumf %add3A_1064, %max3A_1066 : vector<512x128xf32>
    %add3A_1068 = arith.addf %dot_general3A_1047, %max3A_1067 : vector<512x128xf32>
    %max3A_1069 = arith.constant 0.000000e+00 : f32
    %max3A_1070 = vector.broadcast %max3A_1069 : f32 to vector<512x128xf32>
    %max3A_1071 = arith.maximumf %add3A_1068, %max3A_1070 : vector<512x128xf32>
    %swap3A_1072 = arith.constant 0 : index
    %swap3A_1073 = arith.constant 15 : index
    %swap3A_1074 = arith.constant 0 : index
    %swap3A_1075 = arith.constant 0 : index
    %swap3A_1076 = vector.load %arg13[%swap3A_1072, %swap3A_1073, %swap3A_1074, %swap3A_1075] : memref<1x16x512x128xf32, #tpu.memory_space<vmem>>, vector<1x1x512x128xf32>
    %swap3A_1077 = vector.shape_cast %swap3A_1076 : vector<1x1x512x128xf32> to vector<512x128xf32>
    %swap3A_1078 = vector.shape_cast %max3A_1071 : vector<512x128xf32> to vector<1x1x512x128xf32>
    tpu.vector_store %arg13[%swap3A_1072, %swap3A_1073, %swap3A_1074, %swap3A_1075], %swap3A_1078 {strides = array<i32>} : memref<1x16x512x128xf32, #tpu.memory_space<vmem>>, vector<1x1x512x128xf32>,
    return
  }
  func.func @transform_0(%arg0: i32, %arg1: i32) -> (i32, i32, i32) {
    %c0_i32 = arith.constant 0 : i32
    %c0_i32_0 = arith.constant 0 : i32
    return %arg0, %arg1, %c0_i32 : i32, i32, i32
  }
  func.func @transform_1(%arg0: i32, %arg1: i32) -> (i32, i32, i32) {
    %c0_i32 = arith.constant 0 : i32
    %c0_i32_0 = arith.constant 0 : i32
    return %arg0, %arg1, %c0_i32 : i32, i32, i32
  }
  func.func @transform_2(%arg0: i32, %arg1: i32) -> (i32, i32, i32, i32) {
    %c0_i32 = arith.constant 0 : i32
    %c0_i32_0 = arith.constant 0 : i32
    %c0_i32_1 = arith.constant 0 : i32
    return %arg0, %c0_i32, %arg1, %c0_i32_0 : i32, i32, i32, i32
  }
  func.func @transform_3(%arg0: i32, %arg1: i32) -> (i32, i32, i32, i32) {
    %c0_i32 = arith.constant 0 : i32
    %c0_i32_0 = arith.constant 0 : i32
    %c0_i32_1 = arith.constant 0 : i32
    return %arg0, %c0_i32, %arg1, %c0_i32_0 : i32, i32, i32, i32
  }
  func.func @transform_4(%arg0: i32, %arg1: i32) -> (i32, i32) {
    %c0_i32 = arith.constant 0 : i32
    %c0_i32_0 = arith.constant 0 : i32
    %c0_i32_1 = arith.constant 0 : i32
    return %c0_i32, %c0_i32_0 : i32, i32
  }
  func.func @transform_5(%arg0: i32, %arg1: i32) -> (i32, i32) {
    %c0_i32 = arith.constant 0 : i32
    %c0_i32_0 = arith.constant 0 : i32
    %c0_i32_1 = arith.constant 0 : i32
    return %c0_i32, %c0_i32_0 : i32, i32
  }
  func.func @transform_6(%arg0: i32, %arg1: i32) -> (i32, i32) {
    %c0_i32 = arith.constant 0 : i32
    %c0_i32_0 = arith.constant 0 : i32
    %c0_i32_1 = arith.constant 0 : i32
    return %c0_i32, %c0_i32_0 : i32, i32
  }
  func.func @transform_7(%arg0: i32, %arg1: i32) -> (i32, i32) {
    %c0_i32 = arith.constant 0 : i32
    %c0_i32_0 = arith.constant 0 : i32
    %c0_i32_1 = arith.constant 0 : i32
    return %c0_i32, %c0_i32_0 : i32, i32
  }
  func.func @transform_8(%arg0: i32, %arg1: i32) -> (i32, i32) {
    %c0_i32 = arith.constant 0 : i32
    %c0_i32_0 = arith.constant 0 : i32
    %c0_i32_1 = arith.constant 0 : i32
    return %c0_i32, %c0_i32_0 : i32, i32
  }
  func.func @transform_9(%arg0: i32, %arg1: i32) -> (i32, i32) {
    %c0_i32 = arith.constant 0 : i32
    %c0_i32_0 = arith.constant 0 : i32
    %c0_i32_1 = arith.constant 0 : i32
    return %c0_i32, %c0_i32_0 : i32, i32
  }
  func.func @transform_10(%arg0: i32, %arg1: i32) -> (i32, i32) {
    %c0_i32 = arith.constant 0 : i32
    %c0_i32_0 = arith.constant 0 : i32
    %c0_i32_1 = arith.constant 0 : i32
    return %c0_i32, %c0_i32_0 : i32, i32
  }
  func.func @transform_11(%arg0: i32, %arg1: i32) -> (i32, i32, i32, i32) {
    %c0_i32 = arith.constant 0 : i32
    %c0_i32_0 = arith.constant 0 : i32
    %c0_i32_1 = arith.constant 0 : i32
    return %arg0, %c0_i32, %arg1, %c0_i32_0 : i32, i32, i32, i32
  }
}

</mosaic_0001>

<sc_bundles>
// kernel: sparse-core-data-format-call.cloned.1.call-start
scs
called_computation_lowered:
.L_overlay_start_0:
0x0: {  	s2 =	sld [smem:$0x3FD9]  }
0x1: {  	s3 =	sld [smem:$0x3FFE];
	_ =	sdelay $0x1  }
0x2: {  	s1 =	srdreg.scid  }
0x3: {  	s0 =	sand.u32 $0x1, s1  }
0x4: {  	s18 =	sshll.u32 s0, $0xA;
	s2 =	sadd.s32 s3, s2  }
0x5: {  	s2 =	sadd.s32 s2, s18  }
0x6: {  	[smem:$0x3FBD] =	sst s2  }
0x7: {  	_ = 	snop  }
0x8: {  	s2 =	sld [smem:$0x3FD0];
	(tm) =	ssettm $0x1  }
0x9: {  	s19 =	sld [smem:$0x3FFB];
	_ =	sdelay $0x3  }
0xa: {  	_ =	strace s19  }
0xb: {  	s3 =	sld [smem:$0x3FFC];
	_ =	sdelay $0x3  }
0xc: {  	_ =	strace s3  }
0xd: {  	s3 =	sld [smem:$0x3FFD];
	_ =	sdelay $0x3  }
0xe: {  	_ =	strace s3  }
0xf: {  	_ =	strace $0x8FFFFFFF  }
0x10: {  	s20 =	sld [smem:$0x3FDB];
	_ =	sdelay $0x1  }
0x11: {  	s4 =	simm.s32 $_scs_section_size  }
0x12: {  	s5 =	simm.s32 $_size__tile_overlayer_lowered;
	s6 =	simm.s32 $_tile_overlayer_lowered  }
0x13: {  	s23 =	simm.s32 $0x1BFF;
	s22 =	sshll.u32 s6, $0x1;
	s3 =	sadd.s32 s4, s20  }
0x14: {  	s7 =	simm.s32 $0x0;
	s21 =	sshll.u32 s5, $0x1;
	s5 =	sadd.s32 s22, s3  }
0x15: {  	[timem:s7], [sflag:s23] =	dma.local [hbm:s5], s21  }
0x16: {  	_ =	swait.ge [sflag:s23], s21  }
0x17: {  	s4 =	ssub.s32 $0x0, s21;
	[sflag:s23] =	ssyncset.done $0x0  }
0x18: {  	[sflag:s23] =	ssyncadd.s32 s4;
	_ =	sdelay $0x1  }
0x19: {  	s24 =	simm.s32 $0x1B8B  }
0x1a: {  	_ =	swait.ge [sflag:s24], $0x1  }
0x1b: {  	[sflag:s24] =	ssyncset.done $0x0  }
0x1c: {  	s26 =	simm.s32 $0x1B8E;
	s25 =	sld [smem:$0x3FFE];
	[sflag:s24] =	ssyncadd.s32 $0xFFFFFFFF  }
0x1d: {  	s27 =	simm.s32 $execute0_lowered;
	[smem:$0x3FD2] =	sst s26  }
0x1e: {  	s5 =	sshll.u32 s27, $0x1;
	_ =	strace $0x80000046;
	[dreg:$0x1] =	wrdreg $0xFFFFFFFF  }
0x1f: {  	s28 =	simm.s32 $_size_execute0_lowered;
	s3 =	sadd.s32 s3, s5;
	[dreg:$0x0] =	wrdreg $0x0  }
0x20: {  	s5 =	sshll.u32 s28, $0x1;
	[dreg:$0x2] =	wrdreg s3  }
0x21: {  	[dreg:$0x3] =	wrdreg s5  }
0x22: {  	[dreg:$0x4] =	wrdreg $0xC0  }
0x23: {  	_ =	task [dreg:s7], $0x5FFFF  }
0x24: {  	[dreg:$0x1] =	wrdreg $0xFFFFFFFF  }
0x25: {  	[dreg:$0x0] =	wrdreg $0x60  }
0x26: {  	[dreg:$0x2] =	wrdreg s25  }
0x27: {  	[dreg:$0x3] =	wrdreg s2  }
0x28: {  	[dreg:$0x4] =	wrdreg $0x9  }
0x29: {  	_ =	task.clear_ibuf [dreg:s7], $0x5FFFF;
	_ =	strace $0x90000046  }
0x2a: {  	s29 =	simm.s32 $0x9;
	_ =	strace $0x80000048  }
0x2b: {  	_ =	swait.ge [sflag:s29], $0x1  }
0x2c: {  	[sflag:s29] =	ssyncadd.s32 $0xFFFFFFFF  }
0x2d: {  	_ =	strace $0x90000048  }
0x2e: {  	_ =	sfence  }
0x2f: {  	s30 =	sld [smem:$0x0];
	_ =	sdelay $0x2  }
0x30: {  	s31 =	sshll.u32 s1, $0xD;
	s1 =	sshrl.u32 s1, $0x2  }
0x31: {  	s3 =	sand.u32 $0x4000, s31;
	s1 =	sadd.s32 s1, s30  }
0x32: {  	s0 =	sor.u32 s3, s0;
	s1 =	sshll.u32 s1, $0x11  }
0x33: {  	s0 =	sor.u32 s1, s0  }
0x34: {  	s0 =	sadd.s32 $0x8F2B, s0  }
0x35: {  	[sflag:s0] =	ssyncadd.remote.s32 $0x1  }
0x36: {  	_ =	sfence.sel $0xFFFF  }
0x37: {  	[dreg:$0x0] =	wrdreg $0xFFFFFFFF;
	(pc) =	sbr.abs _section_cstart, $3  }
0x38: {  	[dreg:$0x1] =	wrdreg $0xFFFFFFFF  }
0x39: {  	_ =	task.clear_ibuf [dreg:s7], $0x2FFFF;
	_ =	strace $0x9FFFFFFF  }
0x3a: {  	(tm) =	ssettm $0x7FFFFFFF  }
0x3b: {  	_ =	shalt  }
tec
execute0_lowered:
.L_overlay_start_1:
0x0: {  	(tag) =	ssettag $0x1  }
0x1: {  	s3 =	rddreg [dreg:$0x0]  }
0x2: {  	s0 =	srdreg.scid;
	s1 =	rddreg [dreg:$0x1]  }
0x3: {  	s5 =	simm.s32 $0x1;
	s7 =	simm.s32 $0x2;
	s14 =	simm.s32 $0x0  }
0x4: {  	p0 =	por $0x0, $0x0;
	s8 =	simm.s32 $0x200000;
	s0 =	sshll.u32 s0, $0x7  }
0x5: {  	s13 =	simm.s32 $0x0;
	s15 =	simm.s32 $0x0;
	s2 =	sand.u32 $0x80, s0  }
0x6: {  	s9 =	simm.s32 $0x0;
	s11 =	stileid.u32;
	s6 =	ssub.s32 $0x2000, s2  }
.Ltmp0:
0x7: {  	s12 =	simm.s32 $0x0;
	s31 =	sshrl.u32 s6, $0x7;
	(pc) =	sbr.rel .LBB1_1-.Ltmp0, $4  }
0x8: {  	s4 =	sadd.s32 $0x1503800, s3;
	s6 =	sshrl.u32 s6, $0x8;
	s3 =	sand.u32 $0x1, s31  }
0x9: {  	s0 =	rddreg [dreg:$0x2];
	_ =	strace $0x80000047;
	s6 =	sadd.s32 s6, s3  }
0xa: {  	[sflag:s5] =	ssyncpa.u1 $0x0;
	s10 =	smov.u32 s2;
	s6 =	sshll.u32 s6, $0x4  }
0xb: {  	[sflag:s7] =	ssyncpa.u1 $0x0;
	s3 =	stileid.u32;
	s7 =	sor.u32 $0x1, s6  }
.LBB1_4:
0xc: {  	s18 =	sshll.u32 s14, $0xD  }
0xd: {  	s19 =	sand.u32 $0x78, s13;
	s20 =	sshll.u32 s13, $0x3;
	s30 =	sshll.u32 s14, $0x7  }
0xe: {  	s15 =	sshll.u32 s15, $0xE;
	s18 =	sand.u32 $0x10000, s18;
	s21 =	sand.u32 $0x1FC00, s20  }
0xf: {  	s31 =	sand.u32 $0x7, s13;
	s20 =	sand.u32 $0x1C00, s20;
	s18 =	sadd.s32 s21, s18  }
0x10: {  	s14 =	sand.u32 $0x380, s30;
	s19 =	sor.u32 s19, s20;
	s18 =	sshrl.u32 s18, $0x3  }
0x11: {  	s15 =	sadd.s32 s1, s15;
	s14 =	sor.u32 s14, s19;
	s18 =	sand.u32 $0x3C00, s18  }
0x12: {  	s13 =	sshll.u32 s31, $0x12;
	s14 =	sshrl.u32 s14, $0x3;
	s15 =	sadd.s32 s18, s15  }
0x13: {  	[tilespmem:s17+$0x0 ss:$0x81] =	vst.msk $0xffff, v0;
	s13 =	sor.u32 $0x80, s13;
	s14 =	sadd.s32 s14, s15  }
0x14: {  	[hbm4b:s14+s13] =	stream.strided.scatter [tilespmem:s16], [sflag:$0x2], $0x1000, s8, s13, $0x20;
	[tilespmem:$0x4040] =	vst v63  }
.LBB1_5:
0x15: {  	s16 =	sadd.s32 $0x1, s9  }
0x16: {  	s13 =	sadd.s32 $0x100, s10;
	s17 =	smov.u32 s10;
	p2 =	sgt.s32 s16, $0xF  }
0x17: {  	s17 =	smov.u32 @p2 s13  }
0x18: {  	s19 =	smov.u32 s11;
	s13 =	sadd.s32 $0x10, s11;
	p3 =	sgt.s32 s17, $0x1FFF  }
0x19: {  	s19 =	smov.u32 @p3 s13  }
0x1a: {  	s16 =	simm.s32 @p2 $0x0;
	p2 =	sgt.s32 s19, $0xF  }
0x1b: {  	p1 =	slt.u32 s12, $0x2;
	s19 =	smov.u32 @p2 s3;
	p2 =	sne.s32 s12, s7  }
.Ltmp1:
0x1c: {  	s18 =	simm.s32 @!p1 $0x2;
	(pc) =	sbr.rel @!p2 .LBB1_6-.Ltmp1, $4  }
0x1d: {  	s14 =	smov.u32 s9;
	s15 =	smov.u32 s11;
	_ =	swait.ge @!p1 [sflag:s18], $0x1000  }
0x1e: {  	p0 =	por !p0, !p0;
	[sflag:s18] =	ssyncset.done @!p1 $0x0;
	s9 =	smov.u32 s16  }
0x1f: {  	s17 =	smov.u32 @p3 s2;
	s13 =	smov.u32 s10;
	[sflag:s18] =	ssyncadd.s32 @!p1 $0xFFFFF000  }
0x20: {  	s10 =	smov.u32 s17;
	s12 =	sadd.s32 $0x1, s12;
	s11 =	smov.u32 s19  }
.LBB1_1:
0x21: {  	p1 =	sge.u32 s12, s6;
	s31 =	sadd.s32 $0xFFFFFFFF, s12  }
0x22: {  	s16 =	sxor.u32 @!p1 $0xFFFFFFFF, s12;
	s17 =	sshll.u32 @!p1 s11, $0x15;
	s18 =	sshll.u32 @!p1 s10, $0x8  }
0x23: {  	s19 =	sshll.u32 @!p1 s9, $0x4;
	s16 =	sshll.u32 @!p1 s16, $0xC;
	s17 =	sadd.s32 @!p1 s4, s17  }
0x24: {  	s19 =	sand.u32 @!p1 $0xF0, s19;
	s16 =	sand.u32 @!p1 $0x1000, s16;
	s17 =	sadd.s32 @!p1 s18, s17  }
0x25: {  	s18 =	simm.s32 @!p1 $0x20;
	s17 =	sadd.s32 @!p1 s19, s17;
	s19 =	simm.s32 @!p1 $0x800  }
0x26: {  	[tilespmem:s16], [sflag:$0x1] =	stream.strided.gather @!p1 [hbm4b:s17+s18], $0x1000, s19, s18, $0x38;
	[tilespmem:$0x4040] =	vst v63  }
0x27: {  	p1 =	sge.u32 s31, s6  }
.Ltmp2:
0x28: {  	_ = 	snop;
	(pc) =	sbr.rel @p1 .LBB1_5-.Ltmp2, $1  }
0x29: {  	_ =	sdelay $0x3  }
0x2a: {  	s16 =	simm.s32 $0x1  }
0x2b: {  	_ =	swait.ge [sflag:s5], $0x1000;
	s16 =	simm.s32 @!p0 $0x0  }
0x2c: {  	[sflag:s5] =	ssyncset.done $0x0;
	s17 =	sshll.u32 s16, $0xC  }
0x2d: {  	[sflag:s5] =	ssyncadd.s32 $0xFFFFF000;
	s20 =	sor.u32 $0x10, s17  }
0x2e: {  	s16 =	smul.u32 $0x4080, s16;
	v1 =	vld [tilespmem:s20+$0x0]  }
0x2f: {  	s30 =	sand.u32 $0x1, s12;
	v0 =	vld [tilespmem:s20+$0xFFFFFFF0]  }
0x30: {  	s17 =	smul.u32 $0x4080, s30;
	s16 =	sshrl.u32 s16, $0x2  }
0x31: {  	s18 =	sor.u32 $0x2000, s16  }
0x32: {  	s31 =	sshrl.u32 s17, $0x2;
	s17 =	sadd.s32 $0x0, s18  }
0x33: {  	s19 =	simm.s32 $0x4;
	s20 =	sadd.s32 $0x20, s20;
	s16 =	sor.u32 $0x2000, s31;
	[tilespmem:s17+$0x810 ss:$0x81] =	vst.msk $0xffff, v1  }
.LBB1_3:
0x34: {  	v1 =	vld [tilespmem:s20+$0x0];
	p1 =	sne.s32 s19, $0x1FC;
	[tilespmem:s17+$0x0 ss:$0x81] =	vst.msk $0xffff, v0;
	s17 =	smov.u32 s19;
	s19 =	sadd.s32 $0x4, s19  }
.Ltmp3:
0x35: {  	v0 =	vld [tilespmem:s20+$0xFFFFFFF0];
	(pc) =	sbr.rel @p1 .LBB1_3-.Ltmp3, $4  }
0x36: {  	_ = 	snop  }
0x37: {  	s17 =	sshra.s32 s17, $0x2  }
0x38: {  	s17 =	sadd.s32 s17, s18  }
0x39: {  	s20 =	sadd.s32 $0x20, s20;
	[tilespmem:s17+$0x810 ss:$0x81] =	vst.msk $0xffff, v1  }
.Ltmp4:
0x3a: {  	_ = 	snop;
	(pc) =	sbr.rel .LBB1_4-.Ltmp4, $1  }
0x3b: {  	_ =	sdelay $0x3  }
.LBB1_6:
0x3c: {  	_ =	sfence.sel $0x180000  }
0x3d: {  	s1 =	simm.s32 $0x1;
	[bflag:$0x0] =	sbarrier.arrive $0xFFFF  }
0x3e: {  	s31 =	simm.s32 $0x2;
	[sflag:s1] =	ssyncpa.u1 $0x1  }
0x3f: {  	[sflag:s31] =	ssyncpa.u1 $0x1  }
0x40: {  	p0 =	sne.s32 s3, $0x0;
	_ =	strace $0x90000047  }
0x41: {  	s0 =	sadd.s32 @!p0 $0x100000, s0;
	[bflag:$0x2] =	sbarrier.arrive $0xFFFF  }
0x42: {  	[sflag:s0] =	ssyncadd.tile.s32 @!p0 $0x1;
	_ =	shalt  }
.Lfunc_end1:
_tile_overlayer_lowered:
.L_overlay_start_2:
0x43: {  	(tag) =	ssettag $0x2  }
0x44: {  	s0 =	rddreg [dreg:$0x0];
	s2 =	stileid.u32  }
0x45: {  	s1 =	rddreg [dreg:$0x1];
	p0 =	sne.s32 s2, $0x0  }
0x46: {  	s3 =	rddreg [dreg:$0x2];
	[bflag:$0x3] =	sbarrier.arrive $0xFFFF;
	s2 =	simm.s32 @!p0 $0x1C01  }
0x47: {  	[timem:s3], [sflag:s2] =	dma.local @!p0 [hbm:s0], s1  }
0x48: {  	s0 =	simm.s32 @!p0 $0x1  }
0x49: {  	_ =	swait.ge @!p0 [sflag:s0], s1  }
0x4a: {  	s1 =	ssub.s32 @!p0 $0x0, s1;
	[sflag:s0] =	ssyncset.done @!p0 $0x0  }
0x4b: {  	[sflag:s0] =	ssyncadd.s32 @!p0 s1  }
0x4c: {  	[bflag:$0x3] =	sbarrier.arrive $0xFFFF  }
0x4d: {  	_ =	shalt  }

</sc_bundles>
